<compile_context>
chip_gen: v7x
topology: tpu7x:2x2x1
jax: 0.10.2.dev20260603
libtpu: 0.0.44.dev20260713+nightly
codegen_flags: <defaults>
</compile_context>

<pallas_src>
import functools

import jax
import jax.numpy as jnp
from jax import lax
from jax.experimental import pallas as pl
from jax.experimental.pallas import tpu as pltpu
from jax.experimental.pallas import tpu_sc as plsc

NC = 2
NS = 16
NW = NC * NS


def _sc_gather_call(idx_flat, table_flat, B, CAT_F, CAT_DIM, CARD1):
    TOT = B * CAT_F
    per_w = TOT // NW
    CHUNKS = 2
    RC = per_w // CHUNKS

    mesh = plsc.VectorSubcoreMesh(core_axis_name="c", subcore_axis_name="s")

    @functools.partial(
        pl.kernel,
        mesh=mesh,
        out_type=jax.ShapeDtypeStruct((TOT, CAT_DIM), jnp.float32),
        compiler_params=pltpu.CompilerParams(use_tc_tiling_on_sc=False),
        scratch_types=[
            pltpu.VMEM((RC,), jnp.int32),
            pltpu.VMEM((RC,), jnp.int32),
            pltpu.VMEM((RC, CAT_DIM), jnp.float32),
            pltpu.SemaphoreType.DMA,
        ],
    )
    def gather_kernel(idx_hbm, table_hbm, out_hbm, idx_v, gidx_v, rows_v, sem):
        wid = lax.axis_index("s") * NC + lax.axis_index("c")
        lane = jnp.arange(16, dtype=jnp.int32)
        for c in range(CHUNKS):
            base = wid * per_w + c * RC
            pltpu.sync_copy(idx_hbm.at[pl.ds(base, RC)], idx_v)

            def body(j, _):
                o = pl.multiple_of(j * 16, 16)
                pos = lane + j * 16
                f = lax.rem(pos, CAT_F)
                v = idx_v[pl.ds(o, 16)]
                vloc = jnp.bitwise_and(v, 1023)
                p = (
                    jnp.bitwise_and(v, ~1023)
                    + jnp.left_shift(jnp.bitwise_and(vloc, 127), 3)
                    + jnp.right_shift(vloc, 7)
                )
                gidx_v[pl.ds(o, 16)] = p + f * CARD1
                return 0

            lax.fori_loop(0, RC // 16, body, 0)
            pltpu.async_copy(table_hbm.at[gidx_v], rows_v, sem).wait()
            pltpu.sync_copy(rows_v, out_hbm.at[pl.ds(base, RC)])

    return gather_kernel(idx_flat, table_flat)


def _tc_numerical_call(vals, W_flat, b_flat, NUM_F, NUM_DIM):
    B = vals.shape[0]
    OUT = NUM_F * NUM_DIM
    BLK = 2048

    def num_kernel(v_ref, w_ref, b_ref, o_ref):
        v = v_ref[...]
        m = jnp.logical_not(jnp.isnan(v))
        mf = m.astype(jnp.float32)
        v0 = jnp.where(m, v, 0.0)
        ci = lax.broadcasted_iota(jnp.int32, (NUM_F, OUT), 1) // NUM_DIM
        ri = lax.broadcasted_iota(jnp.int32, (NUM_F, OUT), 0)
        S = (ci == ri).astype(jnp.float32)
        v_rep = jax.lax.dot(v0, S, precision=lax.Precision.HIGHEST)
        m_rep = jax.lax.dot(mf, S, precision=lax.Precision.HIGHEST)
        o_ref[...] = jnp.maximum(v_rep * w_ref[...] + b_ref[...], 0.0) * m_rep

    return pl.pallas_call(
        num_kernel,
        grid=(B // BLK,),
        in_specs=[
            pl.BlockSpec((BLK, NUM_F), lambda i: (i, 0)),
            pl.BlockSpec((1, OUT), lambda i: (0, 0)),
            pl.BlockSpec((1, OUT), lambda i: (0, 0)),
        ],
        out_specs=pl.BlockSpec((BLK, OUT), lambda i: (i, 0)),
        out_shape=jax.ShapeDtypeStruct((B, OUT), jnp.float32),
    )(vals, W_flat, b_flat)


def _tc_transpose_call(tblT, CAT_F, CARD1, CAT_DIM, CARD_PAD):

    VB = 2048

    def tr_kernel(i_ref, o_ref):
        for r in range(VB // 1024):
            ts = [
                jnp.swapaxes(
                    i_ref[0, :, (r * 8 + g) * 128:(r * 8 + g + 1) * 128], 0, 1
                )
                for g in range(8)
            ]
            o_ref[0, r * 128:(r + 1) * 128, :] = jnp.concatenate(ts, axis=1)

    return pl.pallas_call(
        tr_kernel,
        grid=(CAT_F, CARD_PAD // VB),
        in_specs=[pl.BlockSpec((1, CAT_DIM, VB), lambda f, c: (f, 0, c))],
        out_specs=pl.BlockSpec((1, VB // 8, 8 * CAT_DIM), lambda f, c: (f, c, 0)),
        out_shape=jax.ShapeDtypeStruct(
            (CAT_F, CARD_PAD // 8, 8 * CAT_DIM), jnp.float32
        ),
    )(tblT)


def kernel(numerical_values, categorical_indices, W_num, b_num, emb_tables):
    B, NUM_F = numerical_values.shape
    CAT_F = categorical_indices.shape[1]
    CARD1 = emb_tables.shape[1]
    CAT_DIM = emb_tables.shape[2]
    NUM_DIM = W_num.shape[1]

    CARD_PAD = (CARD1 + 1023) // 1024 * 1024
    tblT = emb_tables.transpose(0, 2, 1)
    table_rows = _tc_transpose_call(tblT, CAT_F, CARD1, CAT_DIM, CARD_PAD)
    table_flat = table_rows.reshape(CAT_F * CARD_PAD, CAT_DIM)
    idx_flat = categorical_indices.astype(jnp.int32).reshape(B * CAT_F)

    cat = _sc_gather_call(idx_flat, table_flat, B, CAT_F, CAT_DIM, CARD_PAD)
    cat = cat.reshape(B, CAT_F * CAT_DIM)

    W_flat = W_num.reshape(1, NUM_F * NUM_DIM)
    b_flat = b_num.reshape(1, NUM_F * NUM_DIM)
    num = _tc_numerical_call(numerical_values, W_flat, b_flat, NUM_F, NUM_DIM)

    return jnp.concatenate([num, cat], axis=1)

# --- scband reference (transcript-rebuilt; emitter-appended) ---
"""Pipeline reference for scband-feature-encoder-6253472383497 (READ-ONLY COPY).

The authoritative reference and input builder live on the scoring server;
editing this copy changes nothing except your own understanding.
"""

import jax, jax.numpy as jnp
import numpy as np

B = 16384
NUM_F = 13
CAT_F = 26
CARD = 100000
NUM_DIM = 8
CAT_DIM = 16


def setup_inputs(seed: int = 0) -> dict:
    key = jax.random.key(seed)
    k1, k2, k3, k4, k5 = jax.random.split(key, 5)
    numerical_values = jax.random.normal(k1, (B, NUM_F), dtype=jnp.float32)
    categorical_indices = jax.random.randint(k2, (B, CAT_F), 0, CARD + 1)
    # Per-feature Linear(1, NUM_DIM): weight collapses to [NUM_F, NUM_DIM], bias [NUM_F, NUM_DIM]
    W_num = jax.random.normal(k3, (NUM_F, NUM_DIM), dtype=jnp.float32) * 0.1
    b_num = jax.random.normal(k4, (NUM_F, NUM_DIM), dtype=jnp.float32) * 0.01
    # Stacked embedding tables, cardinality+1 rows each, row 0 is padding (zeros)
    emb_tables = jax.random.normal(k5, (CAT_F, CARD + 1, CAT_DIM), dtype=jnp.float32) * 0.01
    emb_tables = emb_tables.at[:, 0, :].set(0.0)
    return {
        "numerical_values": numerical_values,
        "categorical_indices": categorical_indices,
        "W_num": W_num,
        "b_num": b_num,
        "emb_tables": emb_tables,
    }


def reference(numerical_values, categorical_indices, W_num, b_num, emb_tables):
    batch = numerical_values.shape[0]
    # numerical branch: NaN mask + per-feature Linear(1, d) + ReLU, masked
    mask = ~jnp.isnan(numerical_values)
    vals = jnp.nan_to_num(numerical_values, nan=0.0)
    embedded = jax.nn.relu(vals[:, :, None] * W_num[None, :, :] + b_num[None, :, :])
    embedded = embedded * mask[:, :, None].astype(jnp.float32)
    numerical_encoded = embedded.reshape(batch, NUM_F * NUM_DIM)
    # categorical branch: per-field embedding lookup, concatenated
    field_ids = jnp.arange(CAT_F)
    cat_emb = emb_tables[field_ids[None, :], categorical_indices]  # [B, CAT_F, CAT_DIM]
    categorical_encoded = cat_emb.reshape(batch, CAT_F * CAT_DIM)
    encoded_features = jnp.concatenate([numerical_encoded, categorical_encoded], axis=1)
    return encoded_features

if __name__ == "__main__":
    import jax
    _d = setup_inputs()
    print(jax.jit(kernel)(*tuple(_d.values())))

</pallas_src>

<mosaic_0001>
#map = affine_map<(d0, d1) -> (0)>
#map1 = affine_map<(d0, d1) -> (0, 0)>
module attributes {stable_mosaic.version = 14 : i64} {
  func.func @gather_kernel(%arg0: i32, %arg1: i32, %arg2: memref<425984xi32, #tpu.memory_space<hbm>>, %arg3: memref<2609152x16xf32, #tpu.memory_space<hbm>>, %arg4: memref<425984x16xf32, #tpu.memory_space<hbm>>, %arg5: memref<6656xi32, #tpu.memory_space<vmem>>, %arg6: memref<6656xi32, #tpu.memory_space<vmem>>, %arg7: memref<6656x16xf32, #tpu.memory_space<vmem>>, %arg8: memref<!tpu.dma_semaphore, #tpu.memory_space<semaphore_mem>>) attributes {dimension_semantics = [#tpu.dimension_semantics<core_parallel>, #tpu.dimension_semantics<subcore_parallel>], iteration_bounds = array<i64: 2, 16>, scalar_prefetch = 0 : i64, scratch_operands = 4 : i64, tpu.core_type = #tpu.core_type<sc_vector_subcore>, window_params = [{transform_indices = #map}, {transform_indices = #map1}, {transform_indices = #map1}]} {
    %mul3A = arith.constant 2 : i32
    %mul3A_0 = arith.muli %arg1, %mul3A : i32
    %add3A = arith.addi %mul3A_0, %arg0 : i32
    %iota3A = tpu.iota {dimensions = array<i32: 0>} : vector<16xi32>
    %mul3A_1 = arith.constant 13312 : i32
    %mul3A_2 = arith.muli %add3A, %mul3A_1 : i32
    %add3A_3 = arith.constant 0 : i32
    %add3A_4 = arith.addi %mul3A_2, %add3A_3 : i32
    "tpu.region"() ({
      %run_scoped3A = tpu.sem_alloc : memref<!tpu.dma_semaphore, #tpu.memory_space<semaphore_mem>>
      %dma_start3A_32 = tpu.memref_slice %arg2[%add3A_4] : memref<425984xi32, #tpu.memory_space<hbm>> -> memref<6656xi32, #tpu.memory_space<hbm>>
      %dma_start3A_33 = tpu.memref_slice %arg2[%add3A_4] : memref<425984xi32, #tpu.memory_space<hbm>> -> memref<6656xi32, #tpu.memory_space<hbm>>
      tpu.enqueue_dma source(%dma_start3A_33 : memref<6656xi32, #tpu.memory_space<hbm>>) target(%arg5 : memref<6656xi32, #tpu.memory_space<vmem>>) target_semaphore(%run_scoped3A : memref<!tpu.dma_semaphore, #tpu.memory_space<semaphore_mem>>)
      %dma_wait3A_34 = tpu.memref_slice %arg2[%add3A_4] : memref<425984xi32, #tpu.memory_space<hbm>> -> memref<6656xi32, #tpu.memory_space<hbm>>
      %dma_wait3A_35 = tpu.memref_slice %arg2[%add3A_4] : memref<425984xi32, #tpu.memory_space<hbm>> -> memref<6656xi32, #tpu.memory_space<hbm>>
      tpu.wait_dma2 semaphore(%run_scoped3A : memref<!tpu.dma_semaphore, #tpu.memory_space<semaphore_mem>>) src(%dma_wait3A_35 : memref<6656xi32, #tpu.memory_space<hbm>>) dst(%arg5 : memref<6656xi32, #tpu.memory_space<vmem>>)
      tpu.yield
    }) : () -> ()
    %scan3A = arith.constant 0 : i32
    %scan3A_5 = arith.constant 0 : i32
    %scan3A_6 = arith.constant 416 : i32
    %scan3A_7 = arith.addi %scan3A_5, %scan3A_6 : i32
    %scan3A_8 = arith.constant 1 : i32
    %scan3A_9 = scf.for %scan3A_32 = %scan3A_5 to %scan3A_7 step %scan3A_8 iter_args(%scan3A_33 = %scan3A) -> (i32)  : i32 {
      %mul3A_34 = arith.constant 16 : i32
      %mul3A_35 = arith.muli %scan3A_32, %mul3A_34 : i32
      %multiple_of3A = tpu.assume_multiple %mul3A_35, 16 : i32
      %mul3A_36 = arith.constant 16 : i32
      %mul3A_37 = arith.muli %scan3A_32, %mul3A_36 : i32
      %add3A_38 = vector.broadcast %mul3A_37 : i32 to vector<16xi32>
      %add3A_39 = arith.addi %iota3A, %add3A_38 : vector<16xi32>
      %rem3A = arith.constant 26 : i32
      %rem3A_40 = vector.broadcast %rem3A : i32 to vector<16xi32>
      %rem3A_41 = arith.remsi %add3A_39, %rem3A_40 : vector<16xi32>
      %get3A = arith.index_cast %multiple_of3A : i32 to index
      %get3A_42 = tpu.vector_load %arg5[%get3A] {strides = array<i32>} : memref<6656xi32, #tpu.memory_space<vmem>>, vector<16xi32>,
      %get3A_43 = vector.shape_cast %get3A_42 : vector<16xi32> to vector<16xi32>
      %and3A = arith.constant 1023 : i32
      %and3A_44 = vector.broadcast %and3A : i32 to vector<16xi32>
      %and3A_45 = arith.andi %get3A_43, %and3A_44 : vector<16xi32>
      %and3A_46 = arith.constant -1024 : i32
      %and3A_47 = vector.broadcast %and3A_46 : i32 to vector<16xi32>
      %and3A_48 = arith.andi %get3A_43, %and3A_47 : vector<16xi32>
      %and3A_49 = arith.constant 127 : i32
      %and3A_50 = vector.broadcast %and3A_49 : i32 to vector<16xi32>
      %and3A_51 = arith.andi %and3A_45, %and3A_50 : vector<16xi32>
      %shift_left3A = arith.constant 3 : i32
      %shift_left3A_52 = vector.broadcast %shift_left3A : i32 to vector<16xi32>
      %shift_left3A_53 = arith.shli %and3A_51, %shift_left3A_52 : vector<16xi32>
      %add3A_54 = arith.addi %and3A_48, %shift_left3A_53 : vector<16xi32>
      %shift_right_arithmetic3A = arith.constant 7 : i32
      %shift_right_arithmetic3A_55 = vector.broadcast %shift_right_arithmetic3A : i32 to vector<16xi32>
      %shift_right_arithmetic3A_56 = arith.shrsi %and3A_45, %shift_right_arithmetic3A_55 : vector<16xi32>
      %add3A_57 = arith.addi %add3A_54, %shift_right_arithmetic3A_56 : vector<16xi32>
      %mul3A_58 = arith.constant 100352 : i32
      %mul3A_59 = vector.broadcast %mul3A_58 : i32 to vector<16xi32>
      %mul3A_60 = arith.muli %rem3A_41, %mul3A_59 : vector<16xi32>
      %add3A_61 = arith.addi %add3A_57, %mul3A_60 : vector<16xi32>
      %swap3A = arith.index_cast %multiple_of3A : i32 to index
      %swap3A_62 = tpu.vector_load %arg6[%swap3A] {strides = array<i32>} : memref<6656xi32, #tpu.memory_space<vmem>>, vector<16xi32>,
      %swap3A_63 = vector.shape_cast %swap3A_62 : vector<16xi32> to vector<16xi32>
      %swap3A_64 = vector.shape_cast %add3A_61 : vector<16xi32> to vector<16xi32>
      tpu.vector_store %arg6[%swap3A], %swap3A_64 {strides = array<i32>} : memref<6656xi32, #tpu.memory_space<vmem>>, vector<16xi32>,
      %scan3A_65 = arith.constant 0 : i32
      scf.yield %scan3A_65 : i32
    }
    %scan3A_10 = arith.constant 416 : i32
    %dma_start3A = arith.constant 0 : i32
    %dma_start3A_11 = arith.constant 0 : i32
    %dma_start3A_12 = tpu.memref_slice %arg3[%dma_start3A, %dma_start3A_11] : memref<2609152x16xf32, #tpu.memory_space<hbm>> -> memref<2609152x16xf32, #tpu.memory_space<hbm>>
    tpu.enqueue_indirect_dma source(%dma_start3A_12 : memref<2609152x16xf32, #tpu.memory_space<hbm>>) target(%arg7 : memref<6656x16xf32, #tpu.memory_space<vmem>>) offsets(%arg6 : memref<6656xi32, #tpu.memory_space<vmem>>) semaphore(%arg8 : memref<!tpu.dma_semaphore, #tpu.memory_space<semaphore_mem>>)
    %dma_wait3A = arith.constant 0 : i32
    %dma_wait3A_13 = arith.constant 0 : i32
    %dma_wait3A_14 = tpu.memref_slice %arg3[%dma_wait3A, %dma_wait3A_13] : memref<2609152x16xf32, #tpu.memory_space<hbm>> -> memref<2609152x16xf32, #tpu.memory_space<hbm>>
    tpu.wait_indirect_dma semaphore(%arg8 : memref<!tpu.dma_semaphore, #tpu.memory_space<semaphore_mem>>) src(%dma_wait3A_14 : memref<2609152x16xf32, #tpu.memory_space<hbm>>) dst(%arg7 : memref<6656x16xf32, #tpu.memory_space<vmem>>)
    "tpu.region"() ({
      %run_scoped3A = tpu.sem_alloc : memref<!tpu.dma_semaphore, #tpu.memory_space<semaphore_mem>>
      %dma_start3A_32 = arith.constant 0 : i32
      %dma_start3A_33 = tpu.memref_slice %arg4[%add3A_4, %dma_start3A_32] : memref<425984x16xf32, #tpu.memory_space<hbm>> -> memref<6656x16xf32, #tpu.memory_space<hbm>>
      %dma_start3A_34 = arith.constant 0 : i32
      %dma_start3A_35 = tpu.memref_slice %arg4[%add3A_4, %dma_start3A_34] : memref<425984x16xf32, #tpu.memory_space<hbm>> -> memref<6656x16xf32, #tpu.memory_space<hbm>>
      tpu.enqueue_dma source(%arg7 : memref<6656x16xf32, #tpu.memory_space<vmem>>) target(%dma_start3A_35 : memref<6656x16xf32, #tpu.memory_space<hbm>>) target_semaphore(%run_scoped3A : memref<!tpu.dma_semaphore, #tpu.memory_space<semaphore_mem>>)
      %dma_wait3A_36 = arith.constant 0 : i32
      %dma_wait3A_37 = tpu.memref_slice %arg4[%add3A_4, %dma_wait3A_36] : memref<425984x16xf32, #tpu.memory_space<hbm>> -> memref<6656x16xf32, #tpu.memory_space<hbm>>
      %dma_wait3A_38 = arith.constant 0 : i32
      %dma_wait3A_39 = tpu.memref_slice %arg4[%add3A_4, %dma_wait3A_38] : memref<425984x16xf32, #tpu.memory_space<hbm>> -> memref<6656x16xf32, #tpu.memory_space<hbm>>
      tpu.wait_dma2 semaphore(%run_scoped3A : memref<!tpu.dma_semaphore, #tpu.memory_space<semaphore_mem>>) src(%arg7 : memref<6656x16xf32, #tpu.memory_space<vmem>>) dst(%dma_wait3A_39 : memref<6656x16xf32, #tpu.memory_space<hbm>>)
      tpu.yield
    }) : () -> ()
    %mul3A_15 = arith.constant 13312 : i32
    %mul3A_16 = arith.muli %add3A, %mul3A_15 : i32
    %add3A_17 = arith.constant 6656 : i32
    %add3A_18 = arith.addi %mul3A_16, %add3A_17 : i32
    "tpu.region"() ({
      %run_scoped3A = tpu.sem_alloc : memref<!tpu.dma_semaphore, #tpu.memory_space<semaphore_mem>>
      %dma_start3A_32 = tpu.memref_slice %arg2[%add3A_18] : memref<425984xi32, #tpu.memory_space<hbm>> -> memref<6656xi32, #tpu.memory_space<hbm>>
      %dma_start3A_33 = tpu.memref_slice %arg2[%add3A_18] : memref<425984xi32, #tpu.memory_space<hbm>> -> memref<6656xi32, #tpu.memory_space<hbm>>
      tpu.enqueue_dma source(%dma_start3A_33 : memref<6656xi32, #tpu.memory_space<hbm>>) target(%arg5 : memref<6656xi32, #tpu.memory_space<vmem>>) target_semaphore(%run_scoped3A : memref<!tpu.dma_semaphore, #tpu.memory_space<semaphore_mem>>)
      %dma_wait3A_34 = tpu.memref_slice %arg2[%add3A_18] : memref<425984xi32, #tpu.memory_space<hbm>> -> memref<6656xi32, #tpu.memory_space<hbm>>
      %dma_wait3A_35 = tpu.memref_slice %arg2[%add3A_18] : memref<425984xi32, #tpu.memory_space<hbm>> -> memref<6656xi32, #tpu.memory_space<hbm>>
      tpu.wait_dma2 semaphore(%run_scoped3A : memref<!tpu.dma_semaphore, #tpu.memory_space<semaphore_mem>>) src(%dma_wait3A_35 : memref<6656xi32, #tpu.memory_space<hbm>>) dst(%arg5 : memref<6656xi32, #tpu.memory_space<vmem>>)
      tpu.yield
    }) : () -> ()
    %scan3A_19 = arith.constant 0 : i32
    %scan3A_20 = arith.constant 0 : i32
    %scan3A_21 = arith.constant 416 : i32
    %scan3A_22 = arith.addi %scan3A_20, %scan3A_21 : i32
    %scan3A_23 = arith.constant 1 : i32
    %scan3A_24 = scf.for %scan3A_32 = %scan3A_20 to %scan3A_22 step %scan3A_23 iter_args(%scan3A_33 = %scan3A_19) -> (i32)  : i32 {
      %mul3A_34 = arith.constant 16 : i32
      %mul3A_35 = arith.muli %scan3A_32, %mul3A_34 : i32
      %multiple_of3A = tpu.assume_multiple %mul3A_35, 16 : i32
      %mul3A_36 = arith.constant 16 : i32
      %mul3A_37 = arith.muli %scan3A_32, %mul3A_36 : i32
      %add3A_38 = vector.broadcast %mul3A_37 : i32 to vector<16xi32>
      %add3A_39 = arith.addi %iota3A, %add3A_38 : vector<16xi32>
      %rem3A = arith.constant 26 : i32
      %rem3A_40 = vector.broadcast %rem3A : i32 to vector<16xi32>
      %rem3A_41 = arith.remsi %add3A_39, %rem3A_40 : vector<16xi32>
      %get3A = arith.index_cast %multiple_of3A : i32 to index
      %get3A_42 = tpu.vector_load %arg5[%get3A] {strides = array<i32>} : memref<6656xi32, #tpu.memory_space<vmem>>, vector<16xi32>,
      %get3A_43 = vector.shape_cast %get3A_42 : vector<16xi32> to vector<16xi32>
      %and3A = arith.constant 1023 : i32
      %and3A_44 = vector.broadcast %and3A : i32 to vector<16xi32>
      %and3A_45 = arith.andi %get3A_43, %and3A_44 : vector<16xi32>
      %and3A_46 = arith.constant -1024 : i32
      %and3A_47 = vector.broadcast %and3A_46 : i32 to vector<16xi32>
      %and3A_48 = arith.andi %get3A_43, %and3A_47 : vector<16xi32>
      %and3A_49 = arith.constant 127 : i32
      %and3A_50 = vector.broadcast %and3A_49 : i32 to vector<16xi32>
      %and3A_51 = arith.andi %and3A_45, %and3A_50 : vector<16xi32>
      %shift_left3A = arith.constant 3 : i32
      %shift_left3A_52 = vector.broadcast %shift_left3A : i32 to vector<16xi32>
      %shift_left3A_53 = arith.shli %and3A_51, %shift_left3A_52 : vector<16xi32>
      %add3A_54 = arith.addi %and3A_48, %shift_left3A_53 : vector<16xi32>
      %shift_right_arithmetic3A = arith.constant 7 : i32
      %shift_right_arithmetic3A_55 = vector.broadcast %shift_right_arithmetic3A : i32 to vector<16xi32>
      %shift_right_arithmetic3A_56 = arith.shrsi %and3A_45, %shift_right_arithmetic3A_55 : vector<16xi32>
      %add3A_57 = arith.addi %add3A_54, %shift_right_arithmetic3A_56 : vector<16xi32>
      %mul3A_58 = arith.constant 100352 : i32
      %mul3A_59 = vector.broadcast %mul3A_58 : i32 to vector<16xi32>
      %mul3A_60 = arith.muli %rem3A_41, %mul3A_59 : vector<16xi32>
      %add3A_61 = arith.addi %add3A_57, %mul3A_60 : vector<16xi32>
      %swap3A = arith.index_cast %multiple_of3A : i32 to index
      %swap3A_62 = tpu.vector_load %arg6[%swap3A] {strides = array<i32>} : memref<6656xi32, #tpu.memory_space<vmem>>, vector<16xi32>,
      %swap3A_63 = vector.shape_cast %swap3A_62 : vector<16xi32> to vector<16xi32>
      %swap3A_64 = vector.shape_cast %add3A_61 : vector<16xi32> to vector<16xi32>
      tpu.vector_store %arg6[%swap3A], %swap3A_64 {strides = array<i32>} : memref<6656xi32, #tpu.memory_space<vmem>>, vector<16xi32>,
      %scan3A_65 = arith.constant 0 : i32
      scf.yield %scan3A_65 : i32
    }
    %scan3A_25 = arith.constant 416 : i32
    %dma_start3A_26 = arith.constant 0 : i32
    %dma_start3A_27 = arith.constant 0 : i32
    %dma_start3A_28 = tpu.memref_slice %arg3[%dma_start3A_26, %dma_start3A_27] : memref<2609152x16xf32, #tpu.memory_space<hbm>> -> memref<2609152x16xf32, #tpu.memory_space<hbm>>
    tpu.enqueue_indirect_dma source(%dma_start3A_28 : memref<2609152x16xf32, #tpu.memory_space<hbm>>) target(%arg7 : memref<6656x16xf32, #tpu.memory_space<vmem>>) offsets(%arg6 : memref<6656xi32, #tpu.memory_space<vmem>>) semaphore(%arg8 : memref<!tpu.dma_semaphore, #tpu.memory_space<semaphore_mem>>)
    %dma_wait3A_29 = arith.constant 0 : i32
    %dma_wait3A_30 = arith.constant 0 : i32
    %dma_wait3A_31 = tpu.memref_slice %arg3[%dma_wait3A_29, %dma_wait3A_30] : memref<2609152x16xf32, #tpu.memory_space<hbm>> -> memref<2609152x16xf32, #tpu.memory_space<hbm>>
    tpu.wait_indirect_dma semaphore(%arg8 : memref<!tpu.dma_semaphore, #tpu.memory_space<semaphore_mem>>) src(%dma_wait3A_31 : memref<2609152x16xf32, #tpu.memory_space<hbm>>) dst(%arg7 : memref<6656x16xf32, #tpu.memory_space<vmem>>)
    "tpu.region"() ({
      %run_scoped3A = tpu.sem_alloc : memref<!tpu.dma_semaphore, #tpu.memory_space<semaphore_mem>>
      %dma_start3A_32 = arith.constant 0 : i32
      %dma_start3A_33 = tpu.memref_slice %arg4[%add3A_18, %dma_start3A_32] : memref<425984x16xf32, #tpu.memory_space<hbm>> -> memref<6656x16xf32, #tpu.memory_space<hbm>>
      %dma_start3A_34 = arith.constant 0 : i32
      %dma_start3A_35 = tpu.memref_slice %arg4[%add3A_18, %dma_start3A_34] : memref<425984x16xf32, #tpu.memory_space<hbm>> -> memref<6656x16xf32, #tpu.memory_space<hbm>>
      tpu.enqueue_dma source(%arg7 : memref<6656x16xf32, #tpu.memory_space<vmem>>) target(%dma_start3A_35 : memref<6656x16xf32, #tpu.memory_space<hbm>>) target_semaphore(%run_scoped3A : memref<!tpu.dma_semaphore, #tpu.memory_space<semaphore_mem>>)
      %dma_wait3A_36 = arith.constant 0 : i32
      %dma_wait3A_37 = tpu.memref_slice %arg4[%add3A_18, %dma_wait3A_36] : memref<425984x16xf32, #tpu.memory_space<hbm>> -> memref<6656x16xf32, #tpu.memory_space<hbm>>
      %dma_wait3A_38 = arith.constant 0 : i32
      %dma_wait3A_39 = tpu.memref_slice %arg4[%add3A_18, %dma_wait3A_38] : memref<425984x16xf32, #tpu.memory_space<hbm>> -> memref<6656x16xf32, #tpu.memory_space<hbm>>
      tpu.wait_dma2 semaphore(%run_scoped3A : memref<!tpu.dma_semaphore, #tpu.memory_space<semaphore_mem>>) src(%arg7 : memref<6656x16xf32, #tpu.memory_space<vmem>>) dst(%dma_wait3A_39 : memref<6656x16xf32, #tpu.memory_space<hbm>>)
      tpu.yield
    }) : () -> ()
    return
  }
}

module attributes {stable_mosaic.version = 14 : i64} {
  func.func @tr_kernel(%arg0: i32, %arg1: i32, %arg2: memref<1x16x2048xf32, #tpu.memory_space<vmem>>, %arg3: memref<1x256x128xf32, #tpu.memory_space<vmem>>) attributes {dimension_semantics = [#tpu.dimension_semantics<arbitrary>, #tpu.dimension_semantics<arbitrary>], iteration_bounds = array<i64: 26, 49>, scalar_prefetch = 0 : i64, scratch_operands = 0 : i64, tpu.core_type = #tpu.core_type<tc>, window_params = [{transform_indices = @transform_0, window_bounds = array<i64: 1, 16, 2048>}, {transform_indices = @transform_1, window_bounds = array<i64: 1, 256, 128>}]} {
    %get3A = arith.constant 0 : index
    %get3A_0 = arith.constant 0 : index
    %get3A_1 = arith.constant 0 : index
    %get3A_2 = vector.load %arg2[%get3A, %get3A_0, %get3A_1] : memref<1x16x2048xf32, #tpu.memory_space<vmem>>, vector<1x16x128xf32>
    %get3A_3 = vector.shape_cast %get3A_2 : vector<1x16x128xf32> to vector<16x128xf32>
    %transpose3A = tpu.transpose %get3A_3, [1, 0] : vector<16x128xf32> -> vector<128x16xf32>
    %get3A_4 = arith.constant 0 : index
    %get3A_5 = arith.constant 0 : index
    %get3A_6 = arith.constant 128 : index
    %get3A_7 = vector.load %arg2[%get3A_4, %get3A_5, %get3A_6] : memref<1x16x2048xf32, #tpu.memory_space<vmem>>, vector<1x16x128xf32>
    %get3A_8 = vector.shape_cast %get3A_7 : vector<1x16x128xf32> to vector<16x128xf32>
    %transpose3A_9 = tpu.transpose %get3A_8, [1, 0] : vector<16x128xf32> -> vector<128x16xf32>
    %get3A_10 = arith.constant 0 : index
    %get3A_11 = arith.constant 0 : index
    %get3A_12 = arith.constant 256 : index
    %get3A_13 = vector.load %arg2[%get3A_10, %get3A_11, %get3A_12] : memref<1x16x2048xf32, #tpu.memory_space<vmem>>, vector<1x16x128xf32>
    %get3A_14 = vector.shape_cast %get3A_13 : vector<1x16x128xf32> to vector<16x128xf32>
    %transpose3A_15 = tpu.transpose %get3A_14, [1, 0] : vector<16x128xf32> -> vector<128x16xf32>
    %get3A_16 = arith.constant 0 : index
    %get3A_17 = arith.constant 0 : index
    %get3A_18 = arith.constant 384 : index
    %get3A_19 = vector.load %arg2[%get3A_16, %get3A_17, %get3A_18] : memref<1x16x2048xf32, #tpu.memory_space<vmem>>, vector<1x16x128xf32>
    %get3A_20 = vector.shape_cast %get3A_19 : vector<1x16x128xf32> to vector<16x128xf32>
    %transpose3A_21 = tpu.transpose %get3A_20, [1, 0] : vector<16x128xf32> -> vector<128x16xf32>
    %get3A_22 = arith.constant 0 : index
    %get3A_23 = arith.constant 0 : index
    %get3A_24 = arith.constant 512 : index
    %get3A_25 = vector.load %arg2[%get3A_22, %get3A_23, %get3A_24] : memref<1x16x2048xf32, #tpu.memory_space<vmem>>, vector<1x16x128xf32>
    %get3A_26 = vector.shape_cast %get3A_25 : vector<1x16x128xf32> to vector<16x128xf32>
    %transpose3A_27 = tpu.transpose %get3A_26, [1, 0] : vector<16x128xf32> -> vector<128x16xf32>
    %get3A_28 = arith.constant 0 : index
    %get3A_29 = arith.constant 0 : index
    %get3A_30 = arith.constant 640 : index
    %get3A_31 = vector.load %arg2[%get3A_28, %get3A_29, %get3A_30] : memref<1x16x2048xf32, #tpu.memory_space<vmem>>, vector<1x16x128xf32>
    %get3A_32 = vector.shape_cast %get3A_31 : vector<1x16x128xf32> to vector<16x128xf32>
    %transpose3A_33 = tpu.transpose %get3A_32, [1, 0] : vector<16x128xf32> -> vector<128x16xf32>
    %get3A_34 = arith.constant 0 : index
    %get3A_35 = arith.constant 0 : index
    %get3A_36 = arith.constant 768 : index
    %get3A_37 = vector.load %arg2[%get3A_34, %get3A_35, %get3A_36] : memref<1x16x2048xf32, #tpu.memory_space<vmem>>, vector<1x16x128xf32>
    %get3A_38 = vector.shape_cast %get3A_37 : vector<1x16x128xf32> to vector<16x128xf32>
    %transpose3A_39 = tpu.transpose %get3A_38, [1, 0] : vector<16x128xf32> -> vector<128x16xf32>
    %get3A_40 = arith.constant 0 : index
    %get3A_41 = arith.constant 0 : index
    %get3A_42 = arith.constant 896 : index
    %get3A_43 = vector.load %arg2[%get3A_40, %get3A_41, %get3A_42] : memref<1x16x2048xf32, #tpu.memory_space<vmem>>, vector<1x16x128xf32>
    %get3A_44 = vector.shape_cast %get3A_43 : vector<1x16x128xf32> to vector<16x128xf32>
    %transpose3A_45 = tpu.transpose %get3A_44, [1, 0] : vector<16x128xf32> -> vector<128x16xf32>
    %concatenate3A = tpu.concatenate %transpose3A, %transpose3A_9, %transpose3A_15, %transpose3A_21, %transpose3A_27, %transpose3A_33, %transpose3A_39, %transpose3A_45 in 1 : vector<128x16xf32>, vector<128x16xf32>, vector<128x16xf32>, vector<128x16xf32>, vector<128x16xf32>, vector<128x16xf32>, vector<128x16xf32>, vector<128x16xf32> -> vector<128x128xf32>
    %swap3A = arith.constant 0 : index
    %swap3A_46 = arith.constant 0 : index
    %swap3A_47 = arith.constant 0 : index
    %swap3A_48 = vector.load %arg3[%swap3A, %swap3A_46, %swap3A_47] : memref<1x256x128xf32, #tpu.memory_space<vmem>>, vector<1x128x128xf32>
    %swap3A_49 = vector.shape_cast %swap3A_48 : vector<1x128x128xf32> to vector<128x128xf32>
    %swap3A_50 = vector.shape_cast %concatenate3A : vector<128x128xf32> to vector<1x128x128xf32>
    tpu.vector_store %arg3[%swap3A, %swap3A_46, %swap3A_47], %swap3A_50 {strides = array<i32>} : memref<1x256x128xf32, #tpu.memory_space<vmem>>, vector<1x128x128xf32>,
    %get3A_51 = arith.constant 0 : index
    %get3A_52 = arith.constant 0 : index
    %get3A_53 = arith.constant 1024 : index
    %get3A_54 = vector.load %arg2[%get3A_51, %get3A_52, %get3A_53] : memref<1x16x2048xf32, #tpu.memory_space<vmem>>, vector<1x16x128xf32>
    %get3A_55 = vector.shape_cast %get3A_54 : vector<1x16x128xf32> to vector<16x128xf32>
    %transpose3A_56 = tpu.transpose %get3A_55, [1, 0] : vector<16x128xf32> -> vector<128x16xf32>
    %get3A_57 = arith.constant 0 : index
    %get3A_58 = arith.constant 0 : index
    %get3A_59 = arith.constant 1152 : index
    %get3A_60 = vector.load %arg2[%get3A_57, %get3A_58, %get3A_59] : memref<1x16x2048xf32, #tpu.memory_space<vmem>>, vector<1x16x128xf32>
    %get3A_61 = vector.shape_cast %get3A_60 : vector<1x16x128xf32> to vector<16x128xf32>
    %transpose3A_62 = tpu.transpose %get3A_61, [1, 0] : vector<16x128xf32> -> vector<128x16xf32>
    %get3A_63 = arith.constant 0 : index
    %get3A_64 = arith.constant 0 : index
    %get3A_65 = arith.constant 1280 : index
    %get3A_66 = vector.load %arg2[%get3A_63, %get3A_64, %get3A_65] : memref<1x16x2048xf32, #tpu.memory_space<vmem>>, vector<1x16x128xf32>
    %get3A_67 = vector.shape_cast %get3A_66 : vector<1x16x128xf32> to vector<16x128xf32>
    %transpose3A_68 = tpu.transpose %get3A_67, [1, 0] : vector<16x128xf32> -> vector<128x16xf32>
    %get3A_69 = arith.constant 0 : index
    %get3A_70 = arith.constant 0 : index
    %get3A_71 = arith.constant 1408 : index
    %get3A_72 = vector.load %arg2[%get3A_69, %get3A_70, %get3A_71] : memref<1x16x2048xf32, #tpu.memory_space<vmem>>, vector<1x16x128xf32>
    %get3A_73 = vector.shape_cast %get3A_72 : vector<1x16x128xf32> to vector<16x128xf32>
    %transpose3A_74 = tpu.transpose %get3A_73, [1, 0] : vector<16x128xf32> -> vector<128x16xf32>
    %get3A_75 = arith.constant 0 : index
    %get3A_76 = arith.constant 0 : index
    %get3A_77 = arith.constant 1536 : index
    %get3A_78 = vector.load %arg2[%get3A_75, %get3A_76, %get3A_77] : memref<1x16x2048xf32, #tpu.memory_space<vmem>>, vector<1x16x128xf32>
    %get3A_79 = vector.shape_cast %get3A_78 : vector<1x16x128xf32> to vector<16x128xf32>
    %transpose3A_80 = tpu.transpose %get3A_79, [1, 0] : vector<16x128xf32> -> vector<128x16xf32>
    %get3A_81 = arith.constant 0 : index
    %get3A_82 = arith.constant 0 : index
    %get3A_83 = arith.constant 1664 : index
    %get3A_84 = vector.load %arg2[%get3A_81, %get3A_82, %get3A_83] : memref<1x16x2048xf32, #tpu.memory_space<vmem>>, vector<1x16x128xf32>
    %get3A_85 = vector.shape_cast %get3A_84 : vector<1x16x128xf32> to vector<16x128xf32>
    %transpose3A_86 = tpu.transpose %get3A_85, [1, 0] : vector<16x128xf32> -> vector<128x16xf32>
    %get3A_87 = arith.constant 0 : index
    %get3A_88 = arith.constant 0 : index
    %get3A_89 = arith.constant 1792 : index
    %get3A_90 = vector.load %arg2[%get3A_87, %get3A_88, %get3A_89] : memref<1x16x2048xf32, #tpu.memory_space<vmem>>, vector<1x16x128xf32>
    %get3A_91 = vector.shape_cast %get3A_90 : vector<1x16x128xf32> to vector<16x128xf32>
    %transpose3A_92 = tpu.transpose %get3A_91, [1, 0] : vector<16x128xf32> -> vector<128x16xf32>
    %get3A_93 = arith.constant 0 : index
    %get3A_94 = arith.constant 0 : index
    %get3A_95 = arith.constant 1920 : index
    %get3A_96 = vector.load %arg2[%get3A_93, %get3A_94, %get3A_95] : memref<1x16x2048xf32, #tpu.memory_space<vmem>>, vector<1x16x128xf32>
    %get3A_97 = vector.shape_cast %get3A_96 : vector<1x16x128xf32> to vector<16x128xf32>
    %transpose3A_98 = tpu.transpose %get3A_97, [1, 0] : vector<16x128xf32> -> vector<128x16xf32>
    %concatenate3A_99 = tpu.concatenate %transpose3A_56, %transpose3A_62, %transpose3A_68, %transpose3A_74, %transpose3A_80, %transpose3A_86, %transpose3A_92, %transpose3A_98 in 1 : vector<128x16xf32>, vector<128x16xf32>, vector<128x16xf32>, vector<128x16xf32>, vector<128x16xf32>, vector<128x16xf32>, vector<128x16xf32>, vector<128x16xf32> -> vector<128x128xf32>
    %swap3A_100 = arith.constant 0 : index
    %swap3A_101 = arith.constant 128 : index
    %swap3A_102 = arith.constant 0 : index
    %swap3A_103 = vector.load %arg3[%swap3A_100, %swap3A_101, %swap3A_102] : memref<1x256x128xf32, #tpu.memory_space<vmem>>, vector<1x128x128xf32>
    %swap3A_104 = vector.shape_cast %swap3A_103 : vector<1x128x128xf32> to vector<128x128xf32>
    %swap3A_105 = vector.shape_cast %concatenate3A_99 : vector<128x128xf32> to vector<1x128x128xf32>
    tpu.vector_store %arg3[%swap3A_100, %swap3A_101, %swap3A_102], %swap3A_105 {strides = array<i32>} : memref<1x256x128xf32, #tpu.memory_space<vmem>>, vector<1x128x128xf32>,
    return
  }
  func.func @transform_0(%arg0: i32, %arg1: i32) -> (i32, i32, i32) {
    %c0_i32 = arith.constant 0 : i32
    %c0_i32_0 = arith.constant 0 : i32
    return %arg0, %c0_i32, %arg1 : i32, i32, i32
  }
  func.func @transform_1(%arg0: i32, %arg1: i32) -> (i32, i32, i32) {
    %c0_i32 = arith.constant 0 : i32
    %c0_i32_0 = arith.constant 0 : i32
    return %arg0, %arg1, %c0_i32 : i32, i32, i32
  }
}

module attributes {stable_mosaic.version = 14 : i64} {
  func.func @num_kernel(%arg0: i32, %arg1: memref<2048x13xf32, #tpu.memory_space<vmem>>, %arg2: memref<1x104xf32, #tpu.memory_space<vmem>>, %arg3: memref<1x104xf32, #tpu.memory_space<vmem>>, %arg4: memref<2048x104xf32, #tpu.memory_space<vmem>>) attributes {dimension_semantics = [#tpu.dimension_semantics<arbitrary>], iteration_bounds = array<i64: 8>, scalar_prefetch = 0 : i64, scratch_operands = 0 : i64, tpu.core_type = #tpu.core_type<tc>, window_params = [{transform_indices = @transform_0, window_bounds = array<i64: 2048, 13>}, {pipeline_mode = #tpu.pipeline_mode<synchronous>, transform_indices = @transform_1, window_bounds = array<i64: 1, 104>}, {pipeline_mode = #tpu.pipeline_mode<synchronous>, transform_indices = @transform_2, window_bounds = array<i64: 1, 104>}, {transform_indices = @transform_3, window_bounds = array<i64: 2048, 104>}]} {
    %get3A = arith.constant 0 : index
    %get3A_0 = arith.constant 0 : index
    %get3A_1 = vector.load %arg1[%get3A, %get3A_0] : memref<2048x13xf32, #tpu.memory_space<vmem>>, vector<2048x13xf32>
    %ne3A = arith.cmpf one, %get3A_1, %get3A_1 : vector<2048x13xf32>
    %not3A = arith.constant dense<true> : vector<2048x13xi1>
    %not3A_2 = arith.xori %ne3A, %not3A : vector<2048x13xi1>
    %convert_element_type3A = arith.extui %not3A_2 : vector<2048x13xi1> to vector<2048x13xi32>
    %convert_element_type3A_3 = arith.sitofp %convert_element_type3A : vector<2048x13xi32> to vector<2048x13xf32>
    %jit3A = arith.constant 0.000000e+00 : f32
    %broadcast_in_dim3A = vector.broadcast %jit3A : f32 to vector<2048x13xf32>
    %select_n3A = arith.select %not3A_2, %get3A_1, %broadcast_in_dim3A : vector<2048x13xi1>, vector<2048x13xf32>
    %iota3A = tpu.iota {dimensions = array<i32: 1>} : vector<13x104xi32>
    %jit3A_4 = arith.constant 8 : i32
    %div3A = vector.broadcast %jit3A_4 : i32 to vector<13x104xi32>
    %div3A_5 = arith.divsi %iota3A, %div3A : vector<13x104xi32>
    %sign3A = arith.constant 0 : i32
    %sign3A_6 = vector.broadcast %sign3A : i32 to vector<13x104xi32>
    %sign3A_7 = arith.cmpi sgt, %iota3A, %sign3A_6 : vector<13x104xi32>
    %sign3A_8 = arith.extui %sign3A_7 : vector<13x104xi1> to vector<13x104xi32>
    %sign3A_9 = arith.constant 0 : i32
    %sign3A_10 = vector.broadcast %sign3A_9 : i32 to vector<13x104xi32>
    %sign3A_11 = arith.cmpi slt, %iota3A, %sign3A_10 : vector<13x104xi32>
    %sign3A_12 = arith.extui %sign3A_11 : vector<13x104xi1> to vector<13x104xi32>
    %sign3A_13 = arith.subi %sign3A_8, %sign3A_12 : vector<13x104xi32>
    %sign3A_14 = arith.constant 0 : i32
    %sign3A_15 = arith.cmpi sgt, %jit3A_4, %sign3A_14 : i32
    %sign3A_16 = arith.extui %sign3A_15 : i1 to i32
    %sign3A_17 = arith.constant 0 : i32
    %sign3A_18 = arith.cmpi slt, %jit3A_4, %sign3A_17 : i32
    %sign3A_19 = arith.extui %sign3A_18 : i1 to i32
    %sign3A_20 = arith.subi %sign3A_16, %sign3A_19 : i32
    %ne3A_21 = vector.broadcast %sign3A_20 : i32 to vector<13x104xi32>
    %ne3A_22 = arith.cmpi ne, %sign3A_13, %ne3A_21 : vector<13x104xi32>
    %rem3A = vector.broadcast %jit3A_4 : i32 to vector<13x104xi32>
    %rem3A_23 = arith.remsi %iota3A, %rem3A : vector<13x104xi32>
    %ne3A_24 = arith.constant 0 : i32
    %ne3A_25 = vector.broadcast %ne3A_24 : i32 to vector<13x104xi32>
    %ne3A_26 = arith.cmpi ne, %rem3A_23, %ne3A_25 : vector<13x104xi32>
    %and3A = arith.andi %ne3A_22, %ne3A_26 : vector<13x104xi1>
    %sub3A = arith.constant 1 : i32
    %sub3A_27 = vector.broadcast %sub3A : i32 to vector<13x104xi32>
    %sub3A_28 = arith.subi %div3A_5, %sub3A_27 : vector<13x104xi32>
    %select_n3A_29 = arith.select %and3A, %sub3A_28, %div3A_5 : vector<13x104xi1>, vector<13x104xi32>
    %iota3A_30 = tpu.iota {dimensions = array<i32: 0>} : vector<13x104xi32>
    %eq3A = arith.cmpi eq, %select_n3A_29, %iota3A_30 : vector<13x104xi32>
    %convert_element_type3A_31 = arith.extui %eq3A : vector<13x104xi1> to vector<13x104xi32>
    %convert_element_type3A_32 = arith.sitofp %convert_element_type3A_31 : vector<13x104xi32> to vector<13x104xf32>
    %dot_general3A = arith.constant dense<0.000000e+00> : vector<2048x104xf32>
    %dot_general3A_33 = tpu.matmul %select_n3A, %convert_element_type3A_32, %dot_general3A {dimension_numbers = #tpu.dot_dimension_numbers<[1], [0], [0], [1], [0, 0, 1, 1], [], []>, precision = #tpu.contract_precision<fp32>, transpose_lhs_hint = false} : vector<2048x13xf32>, vector<13x104xf32>, vector<2048x104xf32> -> vector<2048x104xf32>
    %dot_general3A_34 = arith.constant dense<0.000000e+00> : vector<2048x104xf32>
    %dot_general3A_35 = tpu.matmul %convert_element_type3A_3, %convert_element_type3A_32, %dot_general3A_34 {dimension_numbers = #tpu.dot_dimension_numbers<[1], [0], [0], [1], [0, 0, 1, 1], [], []>, precision = #tpu.contract_precision<fp32>, transpose_lhs_hint = false} : vector<2048x13xf32>, vector<13x104xf32>, vector<2048x104xf32> -> vector<2048x104xf32>
    %get3A_36 = arith.constant 0 : index
    %get3A_37 = arith.constant 0 : index
    %get3A_38 = vector.load %arg2[%get3A_36, %get3A_37] : memref<1x104xf32, #tpu.memory_space<vmem>>, vector<1x104xf32>
    %mul3A = vector.broadcast %get3A_38 : vector<1x104xf32> to vector<2048x104xf32>
    %mul3A_39 = arith.mulf %dot_general3A_33, %mul3A : vector<2048x104xf32>
    %get3A_40 = arith.constant 0 : index
    %get3A_41 = arith.constant 0 : index
    %get3A_42 = vector.load %arg3[%get3A_40, %get3A_41] : memref<1x104xf32, #tpu.memory_space<vmem>>, vector<1x104xf32>
    %add3A = vector.broadcast %get3A_42 : vector<1x104xf32> to vector<2048x104xf32>
    %add3A_43 = arith.addf %mul3A_39, %add3A : vector<2048x104xf32>
    %max3A = arith.constant 0.000000e+00 : f32
    %max3A_44 = vector.broadcast %max3A : f32 to vector<2048x104xf32>
    %max3A_45 = arith.maximumf %add3A_43, %max3A_44 : vector<2048x104xf32>
    %mul3A_46 = arith.mulf %max3A_45, %dot_general3A_35 : vector<2048x104xf32>
    %swap3A = arith.constant 0 : index
    %swap3A_47 = arith.constant 0 : index
    %swap3A_48 = vector.load %arg4[%swap3A, %swap3A_47] : memref<2048x104xf32, #tpu.memory_space<vmem>>, vector<2048x104xf32>
    tpu.vector_store %arg4[%swap3A, %swap3A_47], %mul3A_46 {strides = array<i32>} : memref<2048x104xf32, #tpu.memory_space<vmem>>, vector<2048x104xf32>,
    return
  }
  func.func @transform_0(%arg0: i32) -> (i32, i32) {
    %c0_i32 = arith.constant 0 : i32
    %c0_i32_0 = arith.constant 0 : i32
    return %arg0, %c0_i32 : i32, i32
  }
  func.func @transform_1(%arg0: i32) -> (i32, i32) {
    %c0_i32 = arith.constant 0 : i32
    %c0_i32_0 = arith.constant 0 : i32
    %c0_i32_1 = arith.constant 0 : i32
    return %c0_i32, %c0_i32_0 : i32, i32
  }
  func.func @transform_2(%arg0: i32) -> (i32, i32) {
    %c0_i32 = arith.constant 0 : i32
    %c0_i32_0 = arith.constant 0 : i32
    %c0_i32_1 = arith.constant 0 : i32
    return %c0_i32, %c0_i32_0 : i32, i32
  }
  func.func @transform_3(%arg0: i32) -> (i32, i32) {
    %c0_i32 = arith.constant 0 : i32
    %c0_i32_0 = arith.constant 0 : i32
    return %arg0, %c0_i32 : i32, i32
  }
}

</mosaic_0001>

<sc_bundles>
// kernel: kernel.5.cloned.1.call-start
scs
__scs_entry_jumppad:
0x0: {  	(pc) =	sbr.rel $0x88, $3  }
0x1: {  	(tag) =	ssettag $0x0;
	lr =	simm.s32 $0x1  }
0x2: {  	[smem:$0x3F9C] =	sst lr;
	_ =	strace $0xD0000000  }
0x3: {  	_ = 	snop  }
0x4: {  	_ = 	snop  }
0x5: {  	_ = 	snop  }
0x6: {  	_ = 	snop  }
0x7: {  	_ = 	snop  }
__scs_overlays_trampoline_lowered:
0x8: {  	[smem:$0x3FAB] =	sst s0  }
0x9: {  	[smem:$0x3FAC] =	sst s1  }
0xa: {  	[smem:$0x3FAD] =	sst s2  }
0xb: {  	[smem:$0x3FAE] =	sst s3  }
0xc: {  	[smem:$0x3FAF] =	sst s4  }
0xd: {  	[smem:$0x3FB0] =	sst s5  }
0xe: {  	[smem:$0x3FB1] =	sst s6  }
0xf: {  	[smem:$0x3FB2] =	sst s7  }
0x10: {  	[smem:$0x3FB3] =	sst s8  }
0x11: {  	[smem:$0x3FB4] =	sst s9;
	s0 =	simm.s32 @!p0 $0x0  }
0x12: {  	s1 =	sld [smem:$0x3F9A];
	s0 =	simm.s32 @p0 $0x1  }
0x13: {  	[smem:$0x3FB5] =	sst s0;
	s0 =	simm.s32 @!p1 $0x0  }
0x14: {  	s2 =	sld [smem:$0x3F99];
	s0 =	simm.s32 @p1 $0x1  }
0x15: {  	[smem:$0x3FB6] =	sst s0;
	s0 =	simm.s32 @!p2 $0x0  }
0x16: {  	s3 =	sld [smem:$0x3FDB];
	s0 =	simm.s32 @p2 $0x1  }
0x17: {  	s4 =	simm.s32 $0x1BF5;
	[smem:$0x3FB8] =	sst s0  }
0x18: {  	s0 =	sld [smem:$0x3F9B];
	_ =	swait.ge [sflag:s4], $0x0  }
0x19: {  	s7 =	sld [smem:$0x3F9C]  }
0x1a: {  	s8 =	sadd.s32 $0xFFFFE003, lr  }
0x1b: {  	s9 =	sadd.s32 $0xFFFFFEF7, lr;
	s5 =	simm.s32 $0xFFFFFFFF;
	p2 =	slt.u32 s8, $0xFFFFF086  }
0x1c: {  	p1 =	slt.u32 s9, $0xF7A;
	s5 =	simm.s32 @!p2 $0x0  }
0x1d: {  	s5 =	simm.s32 @p1 $0x1;
	p0 =	seq.s32 s7, s2  }
0x1e: {  	s7 =	smul.u32 @!p0 $0xF7A, s2;
	p2 =	seq.s32 @!p0 s5, $0x0  }
0x1f: {  	s9 =	smul.u32 $0xF7A, s1;
	s8 =	simm.s32 @!p0 $0x1BF5;
	p2 =	por !p2, p0  }
0x20: {  	[sflag:s8] =	ssyncset.s32 @!p0 $0xFFFFF086;
	s6 =	sadd.s32 @!p0 s3, s7;
	s7 =	simm.s32 @!p0 $0x108  }
0x21: {  	s3 =	sadd.s32 s3, s9;
	s6 =	sadd.s32 @!p0 $0x88, s6;
	s7 =	simm.s32 @p2 $0x1082  }
0x22: {  	[simem:s7], [sflag:s8] =	dma.local @!p0 [hbm:s6], $0xF7A  }
0x23: {  	s9 =	sor.u32 $0xD0000000, s2;
	s6 =	simm.s32 $0x108;
	_ =	swait.ge @!p0 [sflag:s8], $0x0  }
0x24: {  	s3 =	sadd.s32 $0x88, s3;
	s6 =	simm.s32 @!p1 $0x1082;
	[sflag:s4] =	ssyncset.s32 $0xFFFFF086  }
0x25: {  	[simem:s6], [sflag:s4] =	dma.local [hbm:s3], $0xF7A  }
0x26: {  	[smem:$0x3F9C] =	sst s1;
	(tag) =	ssettag s2;
	_ =	strace s9  }
0x27: {  	s1 =	sld [smem:$0x3FAC]  }
0x28: {  	s2 =	sld [smem:$0x3FAD]  }
0x29: {  	s4 =	sld [smem:$0x3FAF]  }
0x2a: {  	p0 =	seq.s32 s5, $0x0;
	s5 =	sld [smem:$0x3FB0]  }
0x2b: {  	s6 =	sld [smem:$0x3FB1]  }
0x2c: {  	s7 =	sld [smem:$0x3FB2]  }
0x2d: {  	s3 =	simm.s32 $0x108;
	s8 =	sld [smem:$0x3FB3]  }
0x2e: {  	s3 =	simm.s32 @!p0 $0x1082;
	s9 =	sld [smem:$0x3FB4]  }
0x2f: {  	lr =	sadd.s32 s0, s3;
	s0 =	sld [smem:$0x3FAB]  }
0x30: {  	s3 =	sld [smem:$0x3FAE]  }
0x31: {  	[smem:$0x3FB7] =	sst s10  }
0x32: {  	s10 =	sld [smem:$0x3FB5];
	_ =	sdelay $0x3  }
0x33: {  	p0 =	seq.s32 s10, $0x1;
	s10 =	sld [smem:$0x3FB7];
	_ =	sdelay $0x3  }
0x34: {  	[smem:$0x3FB7] =	sst s10  }
0x35: {  	s10 =	sld [smem:$0x3FB6];
	_ =	sdelay $0x3  }
0x36: {  	p1 =	seq.s32 s10, $0x1;
	s10 =	sld [smem:$0x3FB7];
	_ =	sdelay $0x3  }
0x37: {  	[smem:$0x3FB7] =	sst s10  }
0x38: {  	s10 =	sld [smem:$0x3FB8]  }
0x39: {  	_ = 	snop;
	(pc) =	sbr.ind lr, $3  }
0x3a: {  	_ = 	snop  }
0x3b: {  	_ = 	snop  }
0x3c: {  	p2 =	seq.s32 s10, $0x1;
	s10 =	sld [smem:$0x3FB7]  }
0x3d: {  	_ =	shalt  }
0x3e: {  	_ =	shalt  }
0x3f: {  	_ =	shalt  }
0x40: {  	_ =	shalt  }
0x41: {  	_ =	shalt  }
0x42: {  	_ =	shalt  }
0x43: {  	_ =	shalt  }
0x44: {  	_ =	shalt  }
0x45: {  	_ =	shalt  }
0x46: {  	_ =	shalt  }
0x47: {  	_ =	shalt  }
0x48: {  	_ =	shalt  }
0x49: {  	_ =	shalt  }
0x4a: {  	_ =	shalt  }
0x4b: {  	_ =	shalt  }
0x4c: {  	_ =	shalt  }
0x4d: {  	_ =	shalt  }
0x4e: {  	_ =	shalt  }
0x4f: {  	_ =	shalt  }
0x50: {  	_ =	shalt  }
0x51: {  	_ =	shalt  }
0x52: {  	_ =	shalt  }
0x53: {  	_ =	shalt  }
0x54: {  	_ =	shalt  }
0x55: {  	_ =	shalt  }
0x56: {  	_ =	shalt  }
0x57: {  	_ =	shalt  }
0x58: {  	_ =	shalt  }
0x59: {  	_ =	shalt  }
0x5a: {  	_ =	shalt  }
0x5b: {  	_ =	shalt  }
0x5c: {  	_ =	shalt  }
0x5d: {  	_ =	shalt  }
0x5e: {  	_ =	shalt  }
0x5f: {  	_ =	shalt  }
0x60: {  	_ =	shalt  }
0x61: {  	_ =	shalt  }
0x62: {  	_ =	shalt  }
0x63: {  	_ =	shalt  }
0x64: {  	_ =	shalt  }
0x65: {  	_ =	shalt  }
0x66: {  	_ =	shalt  }
0x67: {  	_ =	shalt  }
0x68: {  	_ =	shalt  }
0x69: {  	_ =	shalt  }
0x6a: {  	_ =	shalt  }
0x6b: {  	_ =	shalt  }
0x6c: {  	_ =	shalt  }
0x6d: {  	_ =	shalt  }
0x6e: {  	_ =	shalt  }
0x6f: {  	_ =	shalt  }
0x70: {  	_ =	shalt  }
0x71: {  	_ =	shalt  }
0x72: {  	_ =	shalt  }
0x73: {  	_ =	shalt  }
0x74: {  	_ =	shalt  }
0x75: {  	_ =	shalt  }
0x76: {  	_ =	shalt  }
0x77: {  	_ =	shalt  }
0x78: {  	_ =	shalt  }
0x79: {  	_ =	shalt  }
0x7a: {  	_ =	shalt  }
0x7b: {  	_ =	shalt  }
0x7c: {  	_ =	shalt  }
0x7d: {  	_ =	shalt  }
0x7e: {  	_ =	shalt  }
0x7f: {  	_ =	shalt  }
0x80: {  	_ =	shalt  }
0x81: {  	_ =	shalt  }
0x82: {  	_ =	shalt  }
0x83: {  	_ =	shalt  }
0x84: {  	_ =	shalt  }
0x85: {  	_ =	shalt  }
0x86: {  	_ =	shalt  }
0x87: {  	_ =	shalt  }
.Lfunc_end0:
.L_simem_size_0:
called_computation.1_lowered:
.L_overlay_start_0:
0x88: {  	s2 =	sld [smem:$0x3FD9]  }
0x89: {  	s3 =	sld [smem:$0x3FFE];
	_ =	sdelay $0x1  }
0x8a: {  	s1 =	srdreg.scid  }
0x8b: {  	s0 =	sand.u32 $0x1, s1  }
0x8c: {  	s17 =	sshll.u32 s0, $0xA;
	s2 =	sadd.s32 s3, s2  }
0x8d: {  	s2 =	sadd.s32 s2, s17  }
0x8e: {  	[smem:$0x3FC3] =	sst s2  }
0x8f: {  	_ = 	snop  }
0x90: {  	s2 =	sld [smem:$0x3FD0];
	(tm) =	ssettm $0x1  }
0x91: {  	s18 =	sld [smem:$0x3FFB];
	_ =	sdelay $0x3  }
0x92: {  	_ =	strace s18  }
0x93: {  	s3 =	sld [smem:$0x3FFC];
	_ =	sdelay $0x3  }
0x94: {  	_ =	strace s3  }
0x95: {  	s3 =	sld [smem:$0x3FFD];
	_ =	sdelay $0x3  }
0x96: {  	_ =	strace s3  }
0x97: {  	_ =	strace $0x8FFFFFFF  }
0x98: {  	s19 =	sld [smem:$0x3FDB];
	_ =	sdelay $0x1  }
0x99: {  	s4 =	simm.s32 $_scs_section_size  }
0x9a: {  	s5 =	simm.s32 $_size__tile_overlayer_lowered;
	s6 =	simm.s32 $_tile_overlayer_lowered  }
0x9b: {  	s22 =	simm.s32 $0x1BFF;
	s21 =	sshll.u32 s6, $0x1;
	s3 =	sadd.s32 s4, s19  }
0x9c: {  	s7 =	simm.s32 $0x0;
	s20 =	sshll.u32 s5, $0x1;
	s5 =	sadd.s32 s21, s3  }
0x9d: {  	[timem:s7], [sflag:s22] =	dma.local [hbm:s5], s20  }
0x9e: {  	_ =	swait.ge [sflag:s22], s20  }
0x9f: {  	s4 =	ssub.s32 $0x0, s20;
	[sflag:s22] =	ssyncset.done $0x0  }
0xa0: {  	[sflag:s22] =	ssyncadd.s32 s4;
	_ =	sdelay $0x1  }
0xa1: {  	s23 =	simm.s32 $0x1B8B  }
0xa2: {  	_ =	swait.ge [sflag:s23], $0x1  }
0xa3: {  	[sflag:s23] =	ssyncset.done $0x0  }
0xa4: {  	s25 =	simm.s32 $0x1B8E;
	s24 =	sld [smem:$0x3FFE];
	[sflag:s23] =	ssyncadd.s32 $0xFFFFFFFF  }
0xa5: {  	s26 =	simm.s32 $execute0_lowered;
	[smem:$0x3FD2] =	sst s25  }
0xa6: {  	s5 =	sshll.u32 s26, $0x1;
	_ =	strace $0x80000046;
	[dreg:$0x1] =	wrdreg $0xFFFFFFFF  }
0xa7: {  	s28 =	simm.s32 $_size_execute0_lowered;
	s3 =	sadd.s32 s3, s5;
	[dreg:$0x0] =	wrdreg $0x0  }
0xa8: {  	s5 =	sshll.u32 s28, $0x1;
	[dreg:$0x2] =	wrdreg s3  }
0xa9: {  	[dreg:$0x3] =	wrdreg s5  }
0xaa: {  	[dreg:$0x4] =	wrdreg $0xC0  }
0xab: {  	_ =	task [dreg:s7], $0x5FFFF  }
0xac: {  	[dreg:$0x1] =	wrdreg $0xFFFFFFFF  }
0xad: {  	[dreg:$0x0] =	wrdreg $0x60  }
0xae: {  	[dreg:$0x2] =	wrdreg s2  }
0xaf: {  	[dreg:$0x3] =	wrdreg s24  }
0xb0: {  	[dreg:$0x4] =	wrdreg $0x9  }
0xb1: {  	_ =	task.clear_ibuf [dreg:s7], $0x5FFFF;
	_ =	strace $0x90000046  }
0xb2: {  	s29 =	simm.s32 $0x9;
	_ =	strace $0x80000048  }
0xb3: {  	_ =	swait.ge [sflag:s29], $0x1  }
0xb4: {  	[sflag:s29] =	ssyncadd.s32 $0xFFFFFFFF  }
0xb5: {  	_ =	strace $0x90000048  }
0xb6: {  	_ =	sfence  }
0xb7: {  	s30 =	sld [smem:$0x0];
	_ =	sdelay $0x2  }
0xb8: {  	s31 =	sshll.u32 s1, $0xD;
	s1 =	sshrl.u32 s1, $0x2  }
0xb9: {  	s3 =	sand.u32 $0x4000, s31;
	s1 =	sadd.s32 s1, s30  }
0xba: {  	s0 =	sor.u32 s3, s0;
	s1 =	sshll.u32 s1, $0x11  }
0xbb: {  	s0 =	sor.u32 s1, s0  }
0xbc: {  	s0 =	sadd.s32 $0x8F2B, s0  }
0xbd: {  	[sflag:s0] =	ssyncadd.remote.s32 $0x1  }
0xbe: {  	_ =	sfence.sel $0xFFFF  }
0xbf: {  	[dreg:$0x0] =	wrdreg $0xFFFFFFFF;
	(pc) =	sbr.abs _section_cstart, $3  }
0xc0: {  	[dreg:$0x1] =	wrdreg $0xFFFFFFFF  }
0xc1: {  	_ =	task.clear_ibuf [dreg:s7], $0x2FFFF;
	_ =	strace $0x9FFFFFFF  }
0xc2: {  	(tm) =	ssettm $0x7FFFFFFF  }
0xc3: {  	_ =	shalt  }
tec
execute0_lowered:
.L_overlay_start_1:
0x0: {  	(tag) =	ssettag $0x1  }
0x1: {  	s6 =	rddreg [dreg:$0x0]  }
0x2: {  	s4 =	rddreg [dreg:$0x1]  }
0x3: {  	s0 =	rddreg [dreg:$0x2]  }
0x4: {  	s3 =	srdreg.scid;
	s1 =	stileid.u32  }
0x5: {  	s2 =	simm.s32 $0x0;
	s11 =	simm.s32 $0x1;
	s12 =	simm.s32 $0x1A00  }
0x6: {  	s13 =	simm.s32 $0x0;
	s3 =	sand.u32 $0x1, s3;
	s5 =	sshll.u32 s1, $0x1  }
0x7: {  	[smem:$0x7FF] =	sst s2;
	s10 =	sadd.s32 $0x4FB000, s4;
	s5 =	sor.u32 s3, s5  }
0x8: {  	s7 =	ssub.s32 $0x2, s3;
	_ =	strace $0x80000047;
	s9 =	smul.u32 $0x3400, s5  }
0x9: {  	s3 =	sadd.s32 $0x1000, s4;
	s8 =	sshrl.u32 s7, $0x1;
	s5 =	smul.u32 $0x6800, s5  }
0xa: {  	s8 =	ssub.s32 s7, s8;
	s30 =	sshrl.u32 s9, $0x3;
	s31 =	sadd.s32 $0x1A00, s9  }
0xb: {  	s5 =	sadd.s32 s10, s5;
	s8 =	smax.u32 s8, $0x1;
	s9 =	sshrl.u32 s31, $0x3  }
0xc: {  	s4 =	sadd.s32 s6, s30;
	s7 =	sshll.u32 s31, $0x1;
	s6 =	sadd.s32 s6, s9  }
0xd: {  	v0 =	vlaneseq.u32;
	s7 =	sadd.s32 s10, s7;
	s9 =	simm.s32 $0x2;
	s10 =	simm.s32 $0x3400  }
.LBB2_1:
0xe: {  	[tilespmem:s2], [sflag:$0x2] =	stream.linear.gather [hbm4b:s4+s2], $0x1A00, $0x38;
	[tilespmem:$0x1D400] =	vst v63  }
0xf: {  	_ =	swait.ge [sflag:s9], $0x1A00  }
0x10: {  	v1 =	vor.u32 s2, v0;
	[sflag:s9] =	ssyncset.done $0x0  }
0x11: {  	v2 =	vmulhi.u32 $0x4EC4EC4F, v1;
	[sflag:s9] =	ssyncadd.s32 $0xFFFFE600  }
0x12: {  	v3 =	vld [tilespmem:s2+$0x0]  }
0x13: {  	v2 =	vshrl.u32 v2, $0x3  }
0x14: {  	v2 =	vmul.u32 $0x1A, v2;
	_ =	sdelay $0x1  }
0x15: {  	v1 =	vsub.s32 v1, v2  }
0x16: {  	v1 =	vmul.u32 $0x18800, v1;
	v2 =	vshll.u32 v3, $0x3;
	v4 =	vshrl.u32 v3, $0x7  }
0x17: {  	v3 =	vand.u32 $0xFFFFFC00, v3;
	v2 =	vand.u32 $0x3F8, v2;
	v4 =	vand.u32 $0x7, v4  }
0x18: {  	s14 =	simm.s32 $0x10;
	v2 =	vor.u32 v2, v3;
	v3 =	vor.u32 v1, v4  }
0x19: {  	s16 =	simm.s32 $0x20;
	s15 =	simm.s32 $0x0;
	v1 =	vor.u32 s14, v0;
	s14 =	simm.s32 $0x1A00;
	v2 =	vadd.s32 v2, v3  }
.LBB2_2:
0x1a: {  	p0 =	sne.s32 s16, $0x19F0;
	v3 =	vmulhi.u32 $0x4EC4EC4F, v1;
	[tilespmem:s14+$0x0] =	vst v2;
	s15 =	sadd.s32 $0x10, s15  }
0x1b: {  	v2 =	vld [tilespmem:s15+$0x0]  }
0x1c: {  	v3 =	vshrl.u32 v3, $0x3  }
0x1d: {  	v3 =	vmul.u32 $0x1A, v3;
	_ =	sdelay $0x1  }
.Ltmp0:
0x1e: {  	v1 =	vsub.s32 v1, v3;
	(pc) =	sbr.rel @p0 .LBB2_2-.Ltmp0, $4  }
0x1f: {  	v3 =	vshll.u32 v2, $0x3;
	v4 =	vshrl.u32 v2, $0x7;
	v1 =	vmul.u32 $0x18800, v1  }
0x20: {  	v2 =	vand.u32 $0xFFFFFC00, v2;
	v3 =	vand.u32 $0x3F8, v3;
	v4 =	vand.u32 $0x7, v4  }
0x21: {  	v2 =	vor.u32 v3, v2;
	v3 =	vor.u32 v1, v4  }
0x22: {  	s14 =	sadd.s32 $0x10, s14;
	v1 =	vor.u32 s16, v0;
	s16 =	sadd.s32 $0x10, s16;
	v2 =	vadd.s32 v2, v3  }
0x23: {  	v3 =	vmulhi.u32 $0x4EC4EC4F, v1;
	[tilespmem:s14+$0x0] =	vst v2;
	s15 =	sadd.s32 $0x10, s15  }
0x24: {  	v2 =	vld [tilespmem:s15+$0x0]  }
0x25: {  	v3 =	vshrl.u32 v3, $0x3  }
0x26: {  	v3 =	vmul.u32 $0x1A, v3;
	_ =	sdelay $0x1  }
0x27: {  	v1 =	vsub.s32 v1, v3  }
0x28: {  	v3 =	vshll.u32 v2, $0x3;
	v4 =	vshrl.u32 v2, $0x7;
	v1 =	vmul.u32 $0x18800, v1  }
0x29: {  	v2 =	vand.u32 $0xFFFFFC00, v2;
	v3 =	vand.u32 $0x3F8, v3;
	v4 =	vand.u32 $0x7, v4  }
0x2a: {  	v2 =	vor.u32 v3, v2;
	v1 =	vor.u32 v1, v4  }
0x2b: {  	s31 =	sadd.s32 $0x10, s14;
	v1 =	vadd.s32 v2, v1  }
0x2c: {  	s14 =	simm.s32 $0x1A00;
	[tilespmem:s31+$0x0] =	vst v1  }
0x2d: {  	[tilespmem:s10], [sflag:$0x1] =	stream.indirect.gather [hbm4b:s3+s14], $0x10, s14, s14, $0xb8;
	[tilespmem:$0x1D400] =	vst v63  }
0x2e: {  	_ =	swait.ge [sflag:s11], $0x1A000  }
0x2f: {  	[sflag:s11] =	ssyncset.done $0x0  }
0x30: {  	s15 =	simm.s32 $0x0;
	[sflag:s11] =	ssyncadd.s32 $0xFFFE6000  }
0x31: {  	[hbm4b:s5+s15] =	stream.linear.scatter [tilespmem:s10], [sflag:$0x2], $0x1A000, $0x38;
	[tilespmem:$0x1D400] =	vst v63  }
0x32: {  	_ =	swait.ge [sflag:s9], $0x1A000  }
0x33: {  	[sflag:s9] =	ssyncset.done $0x0  }
0x34: {  	[sflag:s9] =	ssyncadd.s32 $0xFFFE6000  }
0x35: {  	[tilespmem:s15], [sflag:$0x2] =	stream.linear.gather [hbm4b:s6+s15], $0x1A00, $0x38;
	[tilespmem:$0x1D400] =	vst v63  }
0x36: {  	_ =	swait.ge [sflag:s9], $0x1A00  }
0x37: {  	v1 =	vor.u32 s15, v0;
	[sflag:s9] =	ssyncset.done $0x0  }
0x38: {  	v2 =	vmulhi.u32 $0x4EC4EC4F, v1;
	[sflag:s9] =	ssyncadd.s32 $0xFFFFE600  }
0x39: {  	v3 =	vld [tilespmem:s15+$0x0]  }
0x3a: {  	v2 =	vshrl.u32 v2, $0x3  }
0x3b: {  	v2 =	vmul.u32 $0x1A, v2;
	_ =	sdelay $0x1  }
0x3c: {  	v1 =	vsub.s32 v1, v2  }
0x3d: {  	v1 =	vmul.u32 $0x18800, v1;
	v2 =	vshll.u32 v3, $0x3;
	v63 =	vshrl.u32 v3, $0x7  }
0x3e: {  	v3 =	vand.u32 $0xFFFFFC00, v3;
	v2 =	vand.u32 $0x3F8, v2;
	v4 =	vand.u32 $0x7, v63  }
0x3f: {  	s16 =	simm.s32 $0x10;
	v2 =	vor.u32 v2, v3;
	v3 =	vor.u32 v1, v4  }
0x40: {  	v1 =	vor.u32 s16, v0;
	s16 =	simm.s32 $0x20;
	v2 =	vadd.s32 v2, v3  }
.LBB2_4:
0x41: {  	p0 =	sne.s32 s16, $0x19F0;
	v3 =	vmulhi.u32 $0x4EC4EC4F, v1;
	[tilespmem:s14+$0x0] =	vst v2;
	s15 =	sadd.s32 $0x10, s15  }
0x42: {  	v2 =	vld [tilespmem:s15+$0x0]  }
0x43: {  	v3 =	vshrl.u32 v3, $0x3  }
0x44: {  	v3 =	vmul.u32 $0x1A, v3;
	_ =	sdelay $0x1  }
.Ltmp1:
0x45: {  	v1 =	vsub.s32 v1, v3;
	(pc) =	sbr.rel @p0 .LBB2_4-.Ltmp1, $4  }
0x46: {  	v3 =	vshll.u32 v2, $0x3;
	v4 =	vshrl.u32 v2, $0x7;
	v1 =	vmul.u32 $0x18800, v1  }
0x47: {  	v2 =	vand.u32 $0xFFFFFC00, v2;
	v3 =	vand.u32 $0x3F8, v3;
	v4 =	vand.u32 $0x7, v4  }
0x48: {  	v2 =	vor.u32 v3, v2;
	v3 =	vor.u32 v1, v4  }
0x49: {  	s14 =	sadd.s32 $0x10, s14;
	v1 =	vor.u32 s16, v0;
	s16 =	sadd.s32 $0x10, s16;
	v2 =	vadd.s32 v2, v3  }
0x4a: {  	v3 =	vmulhi.u32 $0x4EC4EC4F, v1;
	[tilespmem:s14+$0x0] =	vst v2;
	s15 =	sadd.s32 $0x10, s15  }
0x4b: {  	v2 =	vld [tilespmem:s15+$0x0]  }
0x4c: {  	v3 =	vshrl.u32 v3, $0x3  }
0x4d: {  	v3 =	vmul.u32 $0x1A, v3;
	_ =	sdelay $0x1  }
0x4e: {  	v1 =	vsub.s32 v1, v3  }
0x4f: {  	v3 =	vshll.u32 v2, $0x3;
	v4 =	vshrl.u32 v2, $0x7;
	v1 =	vmul.u32 $0x18800, v1  }
0x50: {  	v2 =	vand.u32 $0xFFFFFC00, v2;
	v3 =	vand.u32 $0x3F8, v3;
	v4 =	vand.u32 $0x7, v4  }
0x51: {  	v2 =	vor.u32 v3, v2;
	v1 =	vor.u32 v1, v4  }
0x52: {  	s31 =	sadd.s32 $0x10, s14;
	v1 =	vadd.s32 v2, v1  }
0x53: {  	[tilespmem:s31+$0x0] =	vst v1  }
0x54: {  	[tilespmem:s10], [sflag:$0x1] =	stream.indirect.gather [hbm4b:s3+s12], $0x10, s12, s12, $0xb8;
	[tilespmem:$0x1D400] =	vst v63  }
0x55: {  	s13 =	sadd.s32 $0x1, s13;
	_ =	swait.ge [sflag:s11], $0x1A000  }
0x56: {  	p0 =	sne.s32 s13, s8;
	[sflag:s11] =	ssyncset.done $0x0  }
.Ltmp2:
0x57: {  	[sflag:s11] =	ssyncadd.s32 $0xFFFE6000;
	(pc) =	sbr.rel @p0 .LBB2_1-.Ltmp2, $4  }
0x58: {  	[hbm4b:s7+s2] =	stream.linear.scatter [tilespmem:s10], [sflag:$0x2], $0x1A000, $0x38;
	[tilespmem:$0x1D400] =	vst v63  }
0x59: {  	_ =	swait.ge [sflag:s9], $0x1A000  }
0x5a: {  	[sflag:s9] =	ssyncset.done $0x0  }
0x5b: {  	[sflag:s9] =	ssyncadd.s32 $0xFFFE6000  }
0x5c: {  	_ =	sfence.sel $0x180000  }
0x5d: {  	[bflag:$0x0] =	sbarrier.arrive $0xFFFF  }
0x5e: {  	p0 =	sne.s32 s1, $0x0;
	_ =	strace $0x90000047  }
0x5f: {  	s0 =	sadd.s32 @!p0 $0x100000, s0;
	[bflag:$0x2] =	sbarrier.arrive $0xFFFF  }
0x60: {  	[sflag:s0] =	ssyncadd.tile.s32 @!p0 $0x1;
	_ =	shalt  }
.Lfunc_end2:
_tile_overlayer_lowered:
.L_overlay_start_2:
0x61: {  	(tag) =	ssettag $0x2  }
0x62: {  	s0 =	rddreg [dreg:$0x0];
	s2 =	stileid.u32  }
0x63: {  	s1 =	rddreg [dreg:$0x1];
	p0 =	sne.s32 s2, $0x0  }
0x64: {  	s3 =	rddreg [dreg:$0x2];
	[bflag:$0x3] =	sbarrier.arrive $0xFFFF;
	s2 =	simm.s32 @!p0 $0x1C02  }
0x65: {  	[timem:s3], [sflag:s2] =	dma.local @!p0 [hbm:s0], s1  }
0x66: {  	s0 =	simm.s32 @!p0 $0x2  }
0x67: {  	_ =	swait.ge @!p0 [sflag:s0], s1  }
0x68: {  	s1 =	ssub.s32 @!p0 $0x0, s1;
	[sflag:s0] =	ssyncset.done @!p0 $0x0  }
0x69: {  	[sflag:s0] =	ssyncadd.s32 @!p0 s1  }
0x6a: {  	[bflag:$0x3] =	sbarrier.arrive $0xFFFF  }
0x6b: {  	_ =	shalt  }

// kernel: sparse-core-data-format-call.cloned.1.call-start
scs
called_computation_lowered:
.L_overlay_start_0:
0x0: {  	s2 =	sld [smem:$0x3FD9]  }
0x1: {  	s3 =	sld [smem:$0x3FFE];
	_ =	sdelay $0x1  }
0x2: {  	s1 =	srdreg.scid  }
0x3: {  	s0 =	sand.u32 $0x1, s1  }
0x4: {  	s18 =	sshll.u32 s0, $0xA;
	s2 =	sadd.s32 s3, s2  }
0x5: {  	s2 =	sadd.s32 s2, s18  }
0x6: {  	[smem:$0x3FC3] =	sst s2  }
0x7: {  	_ = 	snop  }
0x8: {  	s2 =	sld [smem:$0x3FD0];
	(tm) =	ssettm $0x1  }
0x9: {  	s19 =	sld [smem:$0x3FFB];
	_ =	sdelay $0x3  }
0xa: {  	_ =	strace s19  }
0xb: {  	s3 =	sld [smem:$0x3FFC];
	_ =	sdelay $0x3  }
0xc: {  	_ =	strace s3  }
0xd: {  	s3 =	sld [smem:$0x3FFD];
	_ =	sdelay $0x3  }
0xe: {  	_ =	strace s3  }
0xf: {  	_ =	strace $0x8FFFFFFF  }
0x10: {  	s20 =	sld [smem:$0x3FDB];
	_ =	sdelay $0x1  }
0x11: {  	s4 =	simm.s32 $_scs_section_size  }
0x12: {  	s5 =	simm.s32 $_size__tile_overlayer_lowered;
	s6 =	simm.s32 $_tile_overlayer_lowered  }
0x13: {  	s23 =	simm.s32 $0x1BFF;
	s22 =	sshll.u32 s6, $0x1;
	s3 =	sadd.s32 s4, s20  }
0x14: {  	s7 =	simm.s32 $0x0;
	s21 =	sshll.u32 s5, $0x1;
	s5 =	sadd.s32 s22, s3  }
0x15: {  	[timem:s7], [sflag:s23] =	dma.local [hbm:s5], s21  }
0x16: {  	_ =	swait.ge [sflag:s23], s21  }
0x17: {  	s4 =	ssub.s32 $0x0, s21;
	[sflag:s23] =	ssyncset.done $0x0  }
0x18: {  	[sflag:s23] =	ssyncadd.s32 s4;
	_ =	sdelay $0x1  }
0x19: {  	s24 =	simm.s32 $0x1B8B  }
0x1a: {  	_ =	swait.ge [sflag:s24], $0x1  }
0x1b: {  	[sflag:s24] =	ssyncset.done $0x0  }
0x1c: {  	s26 =	simm.s32 $0x1B8E;
	s25 =	sld [smem:$0x3FFE];
	[sflag:s24] =	ssyncadd.s32 $0xFFFFFFFF  }
0x1d: {  	s27 =	simm.s32 $execute0_lowered;
	[smem:$0x3FD2] =	sst s26  }
0x1e: {  	s5 =	sshll.u32 s27, $0x1;
	_ =	strace $0x80000049;
	[dreg:$0x1] =	wrdreg $0xFFFFFFFF  }
0x1f: {  	s28 =	simm.s32 $_size_execute0_lowered;
	s3 =	sadd.s32 s3, s5;
	[dreg:$0x0] =	wrdreg $0x0  }
0x20: {  	s5 =	sshll.u32 s28, $0x1;
	[dreg:$0x2] =	wrdreg s3  }
0x21: {  	[dreg:$0x3] =	wrdreg s5  }
0x22: {  	[dreg:$0x4] =	wrdreg $0xC0  }
0x23: {  	_ =	task [dreg:s7], $0x5FFFF  }
0x24: {  	[dreg:$0x1] =	wrdreg $0xFFFFFFFF  }
0x25: {  	[dreg:$0x0] =	wrdreg $0x60  }
0x26: {  	[dreg:$0x2] =	wrdreg s25  }
0x27: {  	[dreg:$0x3] =	wrdreg s2  }
0x28: {  	[dreg:$0x4] =	wrdreg $0x9  }
0x29: {  	_ =	task.clear_ibuf [dreg:s7], $0x5FFFF;
	_ =	strace $0x90000049  }
0x2a: {  	s29 =	simm.s32 $0x9;
	_ =	strace $0x8000004B  }
0x2b: {  	_ =	swait.ge [sflag:s29], $0x1  }
0x2c: {  	[sflag:s29] =	ssyncadd.s32 $0xFFFFFFFF  }
0x2d: {  	_ =	strace $0x9000004B  }
0x2e: {  	_ =	sfence  }
0x2f: {  	s30 =	sld [smem:$0x0];
	_ =	sdelay $0x2  }
0x30: {  	s31 =	sshll.u32 s1, $0xD;
	s1 =	sshrl.u32 s1, $0x2  }
0x31: {  	s3 =	sand.u32 $0x4000, s31;
	s1 =	sadd.s32 s1, s30  }
0x32: {  	s0 =	sor.u32 s3, s0;
	s1 =	sshll.u32 s1, $0x11  }
0x33: {  	s0 =	sor.u32 s1, s0  }
0x34: {  	s0 =	sadd.s32 $0x8F2B, s0  }
0x35: {  	[sflag:s0] =	ssyncadd.remote.s32 $0x1  }
0x36: {  	_ =	sfence.sel $0xFFFF  }
0x37: {  	[dreg:$0x0] =	wrdreg $0xFFFFFFFF;
	(pc) =	sbr.abs _section_cstart, $3  }
0x38: {  	[dreg:$0x1] =	wrdreg $0xFFFFFFFF  }
0x39: {  	_ =	task.clear_ibuf [dreg:s7], $0x2FFFF;
	_ =	strace $0x9FFFFFFF  }
0x3a: {  	(tm) =	ssettm $0x7FFFFFFF  }
0x3b: {  	_ =	shalt  }
tec
execute0_lowered:
.L_overlay_start_1:
0x0: {  	(tag) =	ssettag $0x1  }
0x1: {  	s0 =	srdreg.scid  }
0x2: {  	s1 =	sshll.u32 s0, $0x4  }
0x3: {  	s6 =	rddreg [dreg:$0x0];
	s0 =	stileid.u32;
	s1 =	sand.u32 $0x10, s1  }
0x4: {  	s3 =	rddreg [dreg:$0x1];
	s1 =	sor.u32 s0, s1  }
0x5: {  	s5 =	simm.s32 $0x1;
	s31 =	simm.s32 $0x2;
	s2 =	sshll.u32 s1, $0x7  }
0x6: {  	s15 =	simm.s32 $0x0;
	s8 =	simm.s32 $0x20000;
	s4 =	ssub.s32 $0x4000, s2  }
0x7: {  	s14 =	simm.s32 $0x0;
	s9 =	simm.s32 $0x0;
	s30 =	sand.u32 $0xF80, s4  }
0x8: {  	s10 =	simm.s32 $0x0;
	s11 =	simm.s32 $0x0;
	p0 =	sne.s32 s30, $0x0  }
.Ltmp0:
0x9: {  	s7 =	sshrl.u32 s4, $0xC;
	s5 =	simm.s32 @!p0 $0x0;
	(pc) =	sbr.rel .LBB1_1-.Ltmp0, $4  }
0xa: {  	s13 =	simm.s32 $0x0;
	s1 =	rddreg [dreg:$0x2];
	s5 =	sadd.s32 s5, s7  }
0xb: {  	_ =	strace $0x8000004A;
	s4 =	simm.s32 $0x1;
	s5 =	smul.u32 $0x5, s5  }
0xc: {  	s6 =	sadd.s32 $0x1000, s6;
	s12 =	smov.u32 s2;
	[sflag:s4] =	ssyncpa.u1 $0x0  }
0xd: {  	[sflag:s31] =	ssyncpa.u1 $0x0;
	p0 =	por $0x0, $0x0;
	s7 =	sadd.s32 $0x1, s5  }
.LBB1_4:
0xe: {  	s20 =	sshra.s32 s20, $0x2  }
0xf: {  	s28 =	sand.u32 $0x78, s10;
	s21 =	sshll.u32 s9, $0xE;
	s22 =	sshll.u32 s10, $0x3  }
0x10: {  	s24 =	sshll.u32 s9, $0x7;
	p1 =	sgt.s32 s9, $0x188;
	s30 =	sshra.s32 s9, $0x1F  }
0x11: {  	s26 =	sshra.s32 s10, $0x1F;
	s19 =	sadd.s32 s20, s19;
	s21 =	sand.u32 $0xFFFE0000, s21  }
0x12: {  	v5 =	vld [tilespmem:s17+$0xFFFFFFD0];
	[tilespmem:s18+$0x2040 ss:$0x81] =	vst.msk $0xffff, v4;
	s23 =	sand.u32 $0xFFFFFC00, s22;
	s29 =	sand.u32 $0x380, s24;
	s22 =	sand.u32 $0x3C00, s22  }
0x13: {  	v58 =	vld [tilespmem:s17+$0xFFFFFFE0];
	[tilespmem:s18+$0x2850 ss:$0x81] =	vst.msk $0xffff, v3;
	s21 =	sadd.s32 s23, s21;
	s20 =	sor.u32 s28, s22;
	s22 =	smov.u32 s9  }
0x14: {  	v59 =	vld [tilespmem:s17+$0xFFFFFFF0];
	[tilespmem:s18+$0x3060 ss:$0x81] =	vst.msk $0xffff, v2;
	s24 =	sand.u32 s30, s9;
	s21 =	sshrl.u32 s21, $0xE;
	s22 =	simm.s32 @!p1 $0x188  }
0x15: {  	v60 =	vld [tilespmem:s17+$0x0];
	[tilespmem:s18+$0x0 ss:$0x81] =	vst.msk $0xffff, v1;
	p1 =	sgt.s32 s10, $0x3F80;
	s31 =	ssub.s32 s22, s24;
	s22 =	smov.u32 s10  }
0x16: {  	v61 =	vld [tilespmem:s17+$0x10];
	[tilespmem:s19+$0x3870 ss:$0x81] =	vst.msk $0xffff, v0;
	s25 =	smulhi.u32 $0x7E07E1, s21;
	s24 =	sand.u32 s26, s10;
	s22 =	simm.s32 @!p1 $0x3F80  }
0x17: {  	v62 =	vld [tilespmem:s17+$0x20];
	s20 =	sor.u32 s29, s20;
	[tilespmem:s19+$0x810 ss:$0x81] =	vst.msk $0xffff, v5;
	s27 =	sadd.s32 $0xFFFFFE78, s31;
	s22 =	ssub.s32 s22, s24  }
0x18: {  	v63 =	vld [tilespmem:s17+$0xFFFFFFC0];
	[tilespmem:s19+$0x1020 ss:$0x81] =	vst.msk $0xffff, v58;
	s18 =	ssub.s32 $0x208, s31;
	s28 =	smul.u32 $0x208, s25;
	s29 =	sadd.s32 $0xFFFFC080, s22  }
0x19: {  	[tilespmem:s19+$0x1830 ss:$0x81] =	vst.msk $0xffff, v59;
	p1 =	sgt.s32 s27, $0x7F;
	s22 =	ssub.s32 $0x4000, s22;
	p2 =	sgt.s32 s29, $0x7F  }
0x1a: {  	s30 =	sand.u32 $0x7, s10;
	[tilespmem:s19+$0x2040 ss:$0x81] =	vst.msk $0xffff, v60;
	s18 =	simm.s32 @p1 $0x0;
	s22 =	simm.s32 @p2 $0x0  }
0x1b: {  	s20 =	sshrl.u32 s20, $0x3;
	[tilespmem:s19+$0x2850 ss:$0x81] =	vst.msk $0xffff, v61;
	s17 =	ssub.s32 s21, s28;
	s18 =	smul.u32 s22, s18  }
0x1c: {  	[tilespmem:s19+$0x3060 ss:$0x81] =	vst.msk $0xffff, v62;
	s20 =	sadd.s32 s3, s20;
	s21 =	sshll.u32 s30, $0x12;
	s17 =	sshll.u32 s17, $0xB  }
0x1d: {  	[tilespmem:s19+$0x0 ss:$0x81] =	vst.msk $0xffff, v63;
	s31 =	sor.u32 $0x400, s21;
	s17 =	sadd.s32 s17, s20;
	s18 =	sand.u32 $0x3FFFFFFF, s18  }
0x1e: {  	[hbm4b:s17+s31] =	stream.strided.scatter [tilespmem:s16], [sflag:$0x2], s18, s8, s31, $0x20;
	[tilespmem:$0x10100] =	vst v63  }
.LBB1_5:
0x1f: {  	p1 =	slt.u32 s13, $0x2  }
0x20: {  	s17 =	smov.u32 s15;
	p2 =	sgt.s32 @!p1 s15, $0x188;
	s16 =	sshra.s32 @!p1 s15, $0x1F  }
0x21: {  	p3 =	sgt.s32 @!p1 s14, $0x3F80;
	s18 =	sshra.s32 @!p1 s14, $0x1F;
	p2 =	por !p2, p1  }
0x22: {  	s15 =	sand.u32 @!p1 s16, s15;
	p3 =	por !p3, p1;
	s16 =	smov.u32 s14  }
0x23: {  	s14 =	sand.u32 @!p1 s18, s14;
	s17 =	simm.s32 @p2 $0x188;
	s16 =	simm.s32 @p3 $0x3F80  }
0x24: {  	s15 =	ssub.s32 @!p1 s17, s15;
	s14 =	ssub.s32 @!p1 s16, s14  }
0x25: {  	s18 =	smov.u32 s12;
	s16 =	sadd.s32 @!p1 $0xFFFFFE78, s15;
	s17 =	sadd.s32 @!p1 $0xFFFFC080, s14  }
0x26: {  	s15 =	ssub.s32 @!p1 $0x208, s15;
	p2 =	sgt.s32 @!p1 s16, $0x7F;
	p3 =	sgt.s32 @!p1 s17, $0x7F  }
0x27: {  	s14 =	ssub.s32 @!p1 $0x4000, s14;
	p2 =	por !p2, p1;
	p3 =	por !p3, p1  }
0x28: {  	s16 =	sadd.s32 $0x80, s11;
	s15 =	simm.s32 @!p2 $0x0;
	s14 =	simm.s32 @!p3 $0x0  }
0x29: {  	p2 =	sgt.s32 s16, $0x207;
	s14 =	smul.u32 @!p1 s14, s15;
	s15 =	sadd.s32 $0x1000, s12  }
0x2a: {  	s18 =	smov.u32 @p2 s15  }
0x2b: {  	s16 =	simm.s32 @p2 $0x0;
	p2 =	sgt.s32 s18, $0x3FFF  }
0x2c: {  	s18 =	smov.u32 @p2 s2;
	p2 =	sne.s32 s13, s7  }
.Ltmp1:
0x2d: {  	p0 =	por !p0, !p0;
	s17 =	simm.s32 @!p1 $0x2;
	(pc) =	sbr.rel @!p2 .LBB1_6-.Ltmp1, $4  }
0x2e: {  	s15 =	smov.u32 s9;
	s9 =	smov.u32 s11;
	s14 =	sand.u32 @!p1 $0x3FFFFFFF, s14  }
0x2f: {  	s11 =	smov.u32 s16;
	_ =	swait.ge @!p1 [sflag:s17], s14;
	s19 =	ssub.s32 @!p1 $0x0, s14  }
0x30: {  	s14 =	smov.u32 s10;
	s13 =	sadd.s32 $0x1, s13;
	[sflag:s17] =	ssyncset.done @!p1 $0x0  }
0x31: {  	s10 =	smov.u32 s12;
	s12 =	smov.u32 s18;
	[sflag:s17] =	ssyncadd.s32 @!p1 s19  }
.LBB1_1:
0x32: {  	p1 =	sge.u32 s13, s5  }
0x33: {  	s16 =	sshrl.u32 @!p1 s12, $0x3  }
0x34: {  	s17 =	sshll.u32 @!p1 s11, $0x3;
	s16 =	smul.u32 @!p1 $0x1400, s16  }
0x35: {  	s18 =	sshll.u32 @!p1 s12, $0x7;
	s17 =	sand.u32 @!p1 $0xFFFFFC00, s17  }
0x36: {  	s16 =	sadd.s32 @!p1 s16, s17;
	s17 =	sand.u32 @!p1 $0x380, s18  }
0x37: {  	s18 =	sand.u32 @!p1 $0x7F, s11;
	s16 =	sor.u32 @!p1 s17, s16  }
0x38: {  	s17 =	sor.u32 @!p1 s18, s16  }
0x39: {  	s18 =	smulhi.u32 @!p1 $0xCCCCCCCD, s17;
	_ =	sdelay $0x1  }
0x3a: {  	s16 =	smulhi.u32 @!p1 $0xCCCCCCCD, s16;
	s18 =	sshrl.u32 @!p1 s18, $0x9  }
0x3b: {  	s18 =	smul.u32 @!p1 $0x280, s18  }
0x3c: {  	s31 =	sadd.s32 $0xFFFFFFFF, s13;
	s19 =	sxor.u32 @!p1 $0xFFFFFFFF, s13;
	s16 =	sshrl.u32 @!p1 s16, $0x9  }
0x3d: {  	s19 =	sshll.u32 @!p1 s19, $0xE;
	s16 =	sand.u32 @!p1 $0x3FFF, s16;
	s17 =	ssub.s32 @!p1 s17, s18  }
0x3e: {  	s16 =	smul.u32 @!p1 $0x50, s16;
	s18 =	sshrl.u32 @!p1 s17, $0x3;
	s17 =	sand.u32 @!p1 $0x7, s17  }
0x3f: {  	s19 =	sand.u32 @!p1 $0x4000, s19;
	s18 =	sadd.s32 @!p1 s6, s18;
	s17 =	sshll.u32 @!p1 s17, $0x12  }
0x40: {  	s16 =	sadd.s32 @!p1 s16, s18;
	s17 =	sor.u32 @!p1 $0x400, s17;
	s18 =	simm.s32 @!p1 $0x1400  }
0x41: {  	[tilespmem:s19], [sflag:$0x1] =	stream.strided.gather @!p1 [hbm4b:s16+s17], $0x4000, s18, s17, $0x38;
	[tilespmem:$0x10100] =	vst v63  }
0x42: {  	p1 =	sge.u32 s31, s5  }
.Ltmp2:
0x43: {  	_ = 	snop;
	(pc) =	sbr.rel @p1 .LBB1_5-.Ltmp2, $1  }
0x44: {  	_ =	sdelay $0x3  }
0x45: {  	s16 =	simm.s32 $0x1  }
0x46: {  	_ =	swait.ge [sflag:s4], $0x4000;
	s16 =	simm.s32 @!p0 $0x0  }
0x47: {  	[sflag:s4] =	ssyncset.done $0x0;
	s17 =	sshll.u32 s16, $0xE  }
0x48: {  	[sflag:s4] =	ssyncadd.s32 $0xFFFFC000;
	s17 =	sor.u32 $0x40, s17  }
0x49: {  	s16 =	smul.u32 $0x10200, s16;
	v0 =	vld [tilespmem:s17+$0x30]  }
0x4a: {  	v1 =	vld [tilespmem:s17+$0xFFFFFFD0]  }
0x4b: {  	s16 =	sshrl.u32 s16, $0x2;
	v5 =	vld [tilespmem:s17+$0xFFFFFFE0]  }
0x4c: {  	v6 =	vld [tilespmem:s17+$0xFFFFFFF0];
	s19 =	sor.u32 $0x8000, s16  }
0x4d: {  	s31 =	sand.u32 $0x1, s13;
	v4 =	vld [tilespmem:s17+$0x0];
	s18 =	sadd.s32 $0x0, s19  }
0x4e: {  	v3 =	vld [tilespmem:s17+$0x10];
	s16 =	smul.u32 $0x10200, s31;
	[tilespmem:s18+$0x3870 ss:$0x81] =	vst.msk $0xffff, v0  }
0x4f: {  	v2 =	vld [tilespmem:s17+$0x20];
	[tilespmem:s18+$0x810 ss:$0x81] =	vst.msk $0xffff, v1  }
0x50: {  	s16 =	sshrl.u32 s16, $0x2;
	v1 =	vld [tilespmem:s17+$0xFFFFFFC0];
	[tilespmem:s18+$0x1020 ss:$0x81] =	vst.msk $0xffff, v5;
	s17 =	sadd.s32 $0x80, s17  }
0x51: {  	s20 =	simm.s32 $0x4;
	s21 =	simm.s32 $0x8;
	s16 =	sor.u32 $0x8000, s16;
	[tilespmem:s18+$0x1830 ss:$0x81] =	vst.msk $0xffff, v6;
	v0 =	vld [tilespmem:s17+$0x30]  }
.LBB1_3:
0x52: {  	p1 =	sne.s32 s21, $0x1FC;
	v5 =	vld [tilespmem:s17+$0xFFFFFFD0];
	[tilespmem:s18+$0x2040 ss:$0x81] =	vst.msk $0xffff, v4  }
0x53: {  	v6 =	vld [tilespmem:s17+$0xFFFFFFE0];
	[tilespmem:s18+$0x2850 ss:$0x81] =	vst.msk $0xffff, v3  }
0x54: {  	s22 =	sshra.s32 s20, $0x2;
	s20 =	smov.u32 s21;
	v7 =	vld [tilespmem:s17+$0xFFFFFFF0];
	[tilespmem:s18+$0x3060 ss:$0x81] =	vst.msk $0xffff, v2  }
.Ltmp3:
0x55: {  	v4 =	vld [tilespmem:s17+$0x0];
	[tilespmem:s18+$0x0 ss:$0x81] =	vst.msk $0xffff, v1;
	s18 =	sadd.s32 s22, s19;
	(pc) =	sbr.rel @p1 .LBB1_3-.Ltmp3, $4  }
0x56: {  	v3 =	vld [tilespmem:s17+$0x10];
	[tilespmem:s18+$0x3870 ss:$0x81] =	vst.msk $0xffff, v0  }
0x57: {  	[tilespmem:s18+$0x810 ss:$0x81] =	vst.msk $0xffff, v5;
	v2 =	vld [tilespmem:s17+$0x20]  }
0x58: {  	v1 =	vld [tilespmem:s17+$0xFFFFFFC0];
	[tilespmem:s18+$0x1020 ss:$0x81] =	vst.msk $0xffff, v6;
	s17 =	sadd.s32 $0x80, s17  }
0x59: {  	s21 =	sadd.s32 $0x4, s21;
	v0 =	vld [tilespmem:s17+$0x30];
	[tilespmem:s18+$0x1830 ss:$0x81] =	vst.msk $0xffff, v7  }
.Ltmp4:
0x5a: {  	_ = 	snop;
	(pc) =	sbr.rel .LBB1_4-.Ltmp4, $1  }
0x5b: {  	_ =	sdelay $0x3  }
.LBB1_6:
0x5c: {  	_ =	sfence.sel $0x180000  }
0x5d: {  	s2 =	simm.s32 $0x1;
	[bflag:$0x0] =	sbarrier.arrive $0xFFFF  }
0x5e: {  	s31 =	simm.s32 $0x2;
	[sflag:s2] =	ssyncpa.u1 $0x1  }
0x5f: {  	[sflag:s31] =	ssyncpa.u1 $0x1  }
0x60: {  	p0 =	sne.s32 s0, $0x0;
	_ =	strace $0x9000004A  }
0x61: {  	s0 =	sadd.s32 @!p0 $0x100000, s1;
	[bflag:$0x2] =	sbarrier.arrive $0xFFFF  }
0x62: {  	[sflag:s0] =	ssyncadd.tile.s32 @!p0 $0x1;
	_ =	shalt  }
.Lfunc_end1:
_tile_overlayer_lowered:
.L_overlay_start_2:
0x63: {  	(tag) =	ssettag $0x2  }
0x64: {  	s0 =	rddreg [dreg:$0x0];
	s2 =	stileid.u32  }
0x65: {  	s1 =	rddreg [dreg:$0x1];
	p0 =	sne.s32 s2, $0x0  }
0x66: {  	s3 =	rddreg [dreg:$0x2];
	[bflag:$0x3] =	sbarrier.arrive $0xFFFF;
	s2 =	simm.s32 @!p0 $0x1C01  }
0x67: {  	[timem:s3], [sflag:s2] =	dma.local @!p0 [hbm:s0], s1  }
0x68: {  	s0 =	simm.s32 @!p0 $0x1  }
0x69: {  	_ =	swait.ge @!p0 [sflag:s0], s1  }
0x6a: {  	s1 =	ssub.s32 @!p0 $0x0, s1;
	[sflag:s0] =	ssyncset.done @!p0 $0x0  }
0x6b: {  	[sflag:s0] =	ssyncadd.s32 @!p0 s1  }
0x6c: {  	[bflag:$0x3] =	sbarrier.arrive $0xFFFF  }
0x6d: {  	_ =	shalt  }

</sc_bundles>
